<compile_context>
chip_gen: v7x
topology: tpu7x:2x2x1
jax: 0.10.2.dev20260603
libtpu: 0.0.44.dev20260713+nightly
codegen_flags: <defaults>
</compile_context>

<pallas_src>
import functools

import jax
import jax.numpy as jnp
from jax import lax
from jax.experimental import pallas as pl
from jax.experimental.pallas import tpu as pltpu
from jax.experimental.pallas import tpu_sc as plsc


def _sc_gather(x, tok_pad, *, nw, rows_per_chunk, idx_stages):
    batch, seq = x.shape
    dp = tok_pad.shape[-1]
    splits = [(0, 128), (128, seq - 128)]
    bpw = batch // nw
    bps = bpw // idx_stages
    mesh = plsc.VectorSubcoreMesh(core_axis_name="c", subcore_axis_name="s")
    nc = mesh.num_cores

    @functools.partial(
        pl.kernel,
        out_type=jax.ShapeDtypeStruct((batch, seq, dp), jnp.float32),
        mesh=mesh,
        scratch_types=[
            pltpu.VMEM((bps, seq), jnp.int32),
            pltpu.VMEM((rows_per_chunk, seq, dp), jnp.float32),
            pltpu.SemaphoreType.DMA,
        ],
        compiler_params=pltpu.CompilerParams(
            use_tc_tiling_on_sc=False, needs_layout_passes=False
        ),
    )
    def gather_kernel(x_hbm, tok_hbm, out_hbm, idx_v, rows_v, sem):
        wid = lax.axis_index("s") * nc + lax.axis_index("c")
        b0 = wid * bpw

        def stage_body(st, carry):
            pltpu.sync_copy(x_hbm.at[pl.ds(b0 + st * bps, bps)], idx_v)

            def chunk_body(i, carry):
                lb = i * rows_per_chunk
                cps = []
                for j in range(rows_per_chunk):
                    for off, ln in splits:
                        cp = pltpu.make_async_copy(
                            tok_hbm.at[idx_v.at[lb + j, pl.ds(off, ln)]],
                            rows_v.at[j, pl.ds(off, ln)],
                            sem,
                        )
                        cp.start()
                        cps.append(cp)
                for cp in cps:
                    cp.wait()
                pltpu.sync_copy(
                    rows_v,
                    out_hbm.at[pl.ds(b0 + st * bps + lb, rows_per_chunk)],
                )
                return carry

            lax.fori_loop(0, bps // rows_per_chunk, chunk_body, 0)
            return carry

        lax.fori_loop(0, idx_stages, stage_body, 0)

    return gather_kernel(x, tok_pad)


def _ln_body(h_ref, pos_ref, g_ref, b_ref, o_ref, *, d):
    h = h_ref[...][:, :, :d]
    h = h + pos_ref[...]
    mu = jnp.mean(h, axis=-1, keepdims=True)
    dlt = h - mu
    var = jnp.mean(dlt * dlt, axis=-1, keepdims=True)
    res = dlt * lax.rsqrt(var + 1e-5) * g_ref[...] + b_ref[...]
    sb = res.shape[1]
    for s in range(sb):
        o_ref[s, :, :] = res[:, s, :].T


def _tc_ln(hpad, pos, gamma, beta, *, batch, seq, d, bb, sb):
    grid = (batch // bb, seq // sb)
    body = functools.partial(_ln_body, d=d)
    return pl.pallas_call(
        body,
        grid=grid,
        in_specs=[
            pl.BlockSpec((bb, sb, 2 * d), lambda i, j: (i, j, 0)),
            pl.BlockSpec((1, sb, d), lambda i, j: (0, j, 0)),
            pl.BlockSpec((1, 1, d), lambda i, j: (0, 0, 0)),
            pl.BlockSpec((1, 1, d), lambda i, j: (0, 0, 0)),
        ],
        out_specs=pl.BlockSpec((sb, d, bb), lambda i, j: (j, 0, i)),
        out_shape=jax.ShapeDtypeStruct((seq, d, batch), jnp.float32),
    )(hpad, pos, gamma, beta)


def kernel(x, tok_table, pos_table, gamma, beta):
    batch, seq = x.shape
    d = tok_table.shape[-1]

    tok_pad = jnp.pad(tok_table, ((0, 0), (0, d)))

    gathered = _sc_gather(x, tok_pad, nw=32, rows_per_chunk=4, idx_stages=4)

    out_phys = _tc_ln(
        gathered,
        pos_table.reshape(1, seq, d),
        gamma.reshape(1, 1, d),
        beta.reshape(1, 1, d),
        batch=batch,
        seq=seq,
        d=d,
        bb=128,
        sb=40,
    )
    return out_phys.transpose(2, 0, 1)

# --- scband reference (transcript-rebuilt; emitter-appended) ---
"""Pipeline reference for scband-embedding-45844480917649 (READ-ONLY COPY).

The authoritative reference and input builder live on the scoring server;
editing this copy changes nothing except your own understanding.
"""

import jax, jax.numpy as jnp
import numpy as np

VOCAB = 1000000
D_MODEL = 64
MAX_LEN = 200
BATCH = 4096
SEQ = 200

def setup_inputs(seed: int = 0) -> dict:
    key = jax.random.key(seed)
    k1, k2, k3 = jax.random.split(key, 3)
    x = jax.random.randint(k1, (BATCH, SEQ), 0, VOCAB, dtype=jnp.int64 if jax.config.jax_enable_x64 else jnp.int32).astype(jnp.int32)
    tok_table = jax.random.normal(k2, (VOCAB, D_MODEL), dtype=jnp.float32)
    pos_table = jax.random.normal(k3, (MAX_LEN, D_MODEL), dtype=jnp.float32)
    gamma = jnp.ones((D_MODEL,), dtype=jnp.float32)
    beta = jnp.zeros((D_MODEL,), dtype=jnp.float32)
    return {"x": x, "tok_table": tok_table, "pos_table": pos_table, "gamma": gamma, "beta": beta}

def _layer_norm(h, gamma, beta, eps=1e-5):
    mu = jnp.mean(h, axis=-1, keepdims=True)
    var = jnp.mean((h - mu) ** 2, axis=-1, keepdims=True)
    return (h - mu) / jnp.sqrt(var + eps) * gamma + beta

def reference(x, tok_table, pos_table, gamma, beta):
    seq_len = x.shape[1]
    pos = jnp.arange(seq_len, dtype=jnp.int32)
    pos = jnp.broadcast_to(pos[None, :], x.shape)
    embedding = jnp.take(pos_table, pos, axis=0)
    embedding = embedding + jnp.take(tok_table, x, axis=0)
    embedding = _layer_norm(embedding, gamma, beta)
    return embedding

if __name__ == "__main__":
    import jax
    _d = setup_inputs()
    print(jax.jit(kernel)(*tuple(_d.values())))

</pallas_src>

<mosaic_0001>
#map = affine_map<(d0, d1) -> (0, 0)>
#map1 = affine_map<(d0, d1) -> (0, 0, 0)>
module attributes {stable_mosaic.version = 14 : i64} {
  func.func @gather_kernel(%arg0: i32, %arg1: i32, %arg2: memref<4096x200xi32, #tpu.memory_space<hbm>>, %arg3: memref<1000000x128xf32, #tpu.memory_space<hbm>>, %arg4: memref<4096x200x128xf32, #tpu.memory_space<hbm>>, %arg5: memref<32x200xi32, #tpu.memory_space<vmem>>, %arg6: memref<4x200x128xf32, #tpu.memory_space<vmem>>, %arg7: memref<!tpu.dma_semaphore, #tpu.memory_space<semaphore_mem>>) attributes {dimension_semantics = [#tpu.dimension_semantics<core_parallel>, #tpu.dimension_semantics<subcore_parallel>], iteration_bounds = array<i64: 2, 16>, scalar_prefetch = 0 : i64, scratch_operands = 3 : i64, tpu.core_type = #tpu.core_type<sc_vector_subcore>, window_params = [{transform_indices = #map}, {transform_indices = #map}, {transform_indices = #map1}]} {
    %mul3A = arith.constant 2 : i32
    %mul3A_0 = arith.muli %arg1, %mul3A : i32
    %add3A = arith.addi %mul3A_0, %arg0 : i32
    %mul3A_1 = arith.constant 128 : i32
    %mul3A_2 = arith.muli %add3A, %mul3A_1 : i32
    %scan3A = arith.constant 0 : i32
    %scan3A_3 = arith.constant 0 : i32
    %scan3A_4 = arith.constant 4 : i32
    %scan3A_5 = arith.addi %scan3A_3, %scan3A_4 : i32
    %scan3A_6 = arith.constant 1 : i32
    scf.for %scan3A_8 = %scan3A_3 to %scan3A_5 step %scan3A_6  : i32 {
      %mul3A_9 = arith.constant 32 : i32
      %mul3A_10 = arith.muli %scan3A_8, %mul3A_9 : i32
      %add3A_11 = arith.addi %mul3A_2, %mul3A_10 : i32
      "tpu.region"() ({
        %run_scoped3A = tpu.sem_alloc : memref<!tpu.dma_semaphore, #tpu.memory_space<semaphore_mem>>
        %dma_start3A = arith.constant 0 : i32
        %dma_start3A_18 = tpu.memref_slice %arg2[%add3A_11, %dma_start3A] : memref<4096x200xi32, #tpu.memory_space<hbm>> -> memref<32x200xi32, #tpu.memory_space<hbm>>
        %dma_start3A_19 = arith.constant 0 : i32
        %dma_start3A_20 = tpu.memref_slice %arg2[%add3A_11, %dma_start3A_19] : memref<4096x200xi32, #tpu.memory_space<hbm>> -> memref<32x200xi32, #tpu.memory_space<hbm>>
        tpu.enqueue_dma source(%dma_start3A_20 : memref<32x200xi32, #tpu.memory_space<hbm>>) target(%arg5 : memref<32x200xi32, #tpu.memory_space<vmem>>) target_semaphore(%run_scoped3A : memref<!tpu.dma_semaphore, #tpu.memory_space<semaphore_mem>>)
        %dma_wait3A = arith.constant 0 : i32
        %dma_wait3A_21 = tpu.memref_slice %arg2[%add3A_11, %dma_wait3A] : memref<4096x200xi32, #tpu.memory_space<hbm>> -> memref<32x200xi32, #tpu.memory_space<hbm>>
        %dma_wait3A_22 = arith.constant 0 : i32
        %dma_wait3A_23 = tpu.memref_slice %arg2[%add3A_11, %dma_wait3A_22] : memref<4096x200xi32, #tpu.memory_space<hbm>> -> memref<32x200xi32, #tpu.memory_space<hbm>>
        tpu.wait_dma2 semaphore(%run_scoped3A : memref<!tpu.dma_semaphore, #tpu.memory_space<semaphore_mem>>) src(%dma_wait3A_23 : memref<32x200xi32, #tpu.memory_space<hbm>>) dst(%arg5 : memref<32x200xi32, #tpu.memory_space<vmem>>)
        tpu.yield
      }) : () -> ()
      %scan3A_12 = arith.constant 0 : i32
      %scan3A_13 = arith.constant 0 : i32
      %scan3A_14 = arith.constant 8 : i32
      %scan3A_15 = arith.addi %scan3A_13, %scan3A_14 : i32
      %scan3A_16 = arith.constant 1 : i32
      scf.for %scan3A_18 = %scan3A_13 to %scan3A_15 step %scan3A_16  : i32 {
        %mul3A_19 = arith.constant 4 : i32
        %mul3A_20 = arith.muli %scan3A_18, %mul3A_19 : i32
        %add3A_21 = arith.constant 0 : i32
        %add3A_22 = arith.addi %mul3A_20, %add3A_21 : i32
        %dma_start3A = arith.constant 0 : i32
        %dma_start3A_23 = arith.constant 0 : i32
        %dma_start3A_24 = arith.constant 0 : i32
        %dma_start3A_25 = tpu.memref_slice %arg6[%dma_start3A, %dma_start3A_23, %dma_start3A_24] : memref<4x200x128xf32, #tpu.memory_space<vmem>> -> memref<1x128x128xf32, #tpu.memory_space<vmem>>
        %dma_start3A_26 = tpu.memref_squeeze %dma_start3A_25 : memref<1x128x128xf32, #tpu.memory_space<vmem>> -> memref<128x128xf32, #tpu.memory_space<vmem>>
        %dma_start3A_27 = arith.constant 0 : i32
        %dma_start3A_28 = tpu.memref_slice %arg5[%add3A_22, %dma_start3A_27] : memref<32x200xi32, #tpu.memory_space<vmem>> -> memref<1x128xi32, #tpu.memory_space<vmem>>
        %dma_start3A_29 = tpu.memref_squeeze %dma_start3A_28 : memref<1x128xi32, #tpu.memory_space<vmem>> -> memref<128xi32, #tpu.memory_space<vmem>>
        %dma_start3A_30 = arith.constant 0 : i32
        %dma_start3A_31 = arith.constant 0 : i32
        %dma_start3A_32 = tpu.memref_slice %arg3[%dma_start3A_30, %dma_start3A_31] : memref<1000000x128xf32, #tpu.memory_space<hbm>> -> memref<1000000x128xf32, #tpu.memory_space<hbm>>
        tpu.enqueue_indirect_dma source(%dma_start3A_32 : memref<1000000x128xf32, #tpu.memory_space<hbm>>) target(%dma_start3A_26 : memref<128x128xf32, #tpu.memory_space<vmem>>) offsets(%dma_start3A_29 : memref<128xi32, #tpu.memory_space<vmem>>) semaphore(%arg7 : memref<!tpu.dma_semaphore, #tpu.memory_space<semaphore_mem>>)
        %add3A_33 = arith.constant 0 : i32
        %add3A_34 = arith.addi %mul3A_20, %add3A_33 : i32
        %dma_start3A_35 = arith.constant 0 : i32
        %dma_start3A_36 = arith.constant 128 : i32
        %dma_start3A_37 = arith.constant 0 : i32
        %dma_start3A_38 = tpu.memref_slice %arg6[%dma_start3A_35, %dma_start3A_36, %dma_start3A_37] : memref<4x200x128xf32, #tpu.memory_space<vmem>> -> memref<1x72x128xf32, #tpu.memory_space<vmem>>
        %dma_start3A_39 = tpu.memref_squeeze %dma_start3A_38 : memref<1x72x128xf32, #tpu.memory_space<vmem>> -> memref<72x128xf32, #tpu.memory_space<vmem>>
        %dma_start3A_40 = arith.constant 128 : i32
        %dma_start3A_41 = tpu.memref_slice %arg5[%add3A_34, %dma_start3A_40] : memref<32x200xi32, #tpu.memory_space<vmem>> -> memref<1x72xi32, #tpu.memory_space<vmem>>
        %dma_start3A_42 = tpu.memref_squeeze %dma_start3A_41 : memref<1x72xi32, #tpu.memory_space<vmem>> -> memref<72xi32, #tpu.memory_space<vmem>>
        %dma_start3A_43 = arith.constant 0 : i32
        %dma_start3A_44 = arith.constant 0 : i32
        %dma_start3A_45 = tpu.memref_slice %arg3[%dma_start3A_43, %dma_start3A_44] : memref<1000000x128xf32, #tpu.memory_space<hbm>> -> memref<1000000x128xf32, #tpu.memory_space<hbm>>
        tpu.enqueue_indirect_dma source(%dma_start3A_45 : memref<1000000x128xf32, #tpu.memory_space<hbm>>) target(%dma_start3A_39 : memref<72x128xf32, #tpu.memory_space<vmem>>) offsets(%dma_start3A_42 : memref<72xi32, #tpu.memory_space<vmem>>) semaphore(%arg7 : memref<!tpu.dma_semaphore, #tpu.memory_space<semaphore_mem>>)
        %add3A_46 = arith.constant 1 : i32
        %add3A_47 = arith.addi %mul3A_20, %add3A_46 : i32
        %dma_start3A_48 = arith.constant 1 : i32
        %dma_start3A_49 = arith.constant 0 : i32
        %dma_start3A_50 = arith.constant 0 : i32
        %dma_start3A_51 = tpu.memref_slice %arg6[%dma_start3A_48, %dma_start3A_49, %dma_start3A_50] : memref<4x200x128xf32, #tpu.memory_space<vmem>> -> memref<1x128x128xf32, #tpu.memory_space<vmem>>
        %dma_start3A_52 = tpu.memref_squeeze %dma_start3A_51 : memref<1x128x128xf32, #tpu.memory_space<vmem>> -> memref<128x128xf32, #tpu.memory_space<vmem>>
        %dma_start3A_53 = arith.constant 0 : i32
        %dma_start3A_54 = tpu.memref_slice %arg5[%add3A_47, %dma_start3A_53] : memref<32x200xi32, #tpu.memory_space<vmem>> -> memref<1x128xi32, #tpu.memory_space<vmem>>
        %dma_start3A_55 = tpu.memref_squeeze %dma_start3A_54 : memref<1x128xi32, #tpu.memory_space<vmem>> -> memref<128xi32, #tpu.memory_space<vmem>>
        %dma_start3A_56 = arith.constant 0 : i32
        %dma_start3A_57 = arith.constant 0 : i32
        %dma_start3A_58 = tpu.memref_slice %arg3[%dma_start3A_56, %dma_start3A_57] : memref<1000000x128xf32, #tpu.memory_space<hbm>> -> memref<1000000x128xf32, #tpu.memory_space<hbm>>
        tpu.enqueue_indirect_dma source(%dma_start3A_58 : memref<1000000x128xf32, #tpu.memory_space<hbm>>) target(%dma_start3A_52 : memref<128x128xf32, #tpu.memory_space<vmem>>) offsets(%dma_start3A_55 : memref<128xi32, #tpu.memory_space<vmem>>) semaphore(%arg7 : memref<!tpu.dma_semaphore, #tpu.memory_space<semaphore_mem>>)
        %add3A_59 = arith.constant 1 : i32
        %add3A_60 = arith.addi %mul3A_20, %add3A_59 : i32
        %dma_start3A_61 = arith.constant 1 : i32
        %dma_start3A_62 = arith.constant 128 : i32
        %dma_start3A_63 = arith.constant 0 : i32
        %dma_start3A_64 = tpu.memref_slice %arg6[%dma_start3A_61, %dma_start3A_62, %dma_start3A_63] : memref<4x200x128xf32, #tpu.memory_space<vmem>> -> memref<1x72x128xf32, #tpu.memory_space<vmem>>
        %dma_start3A_65 = tpu.memref_squeeze %dma_start3A_64 : memref<1x72x128xf32, #tpu.memory_space<vmem>> -> memref<72x128xf32, #tpu.memory_space<vmem>>
        %dma_start3A_66 = arith.constant 128 : i32
        %dma_start3A_67 = tpu.memref_slice %arg5[%add3A_60, %dma_start3A_66] : memref<32x200xi32, #tpu.memory_space<vmem>> -> memref<1x72xi32, #tpu.memory_space<vmem>>
        %dma_start3A_68 = tpu.memref_squeeze %dma_start3A_67 : memref<1x72xi32, #tpu.memory_space<vmem>> -> memref<72xi32, #tpu.memory_space<vmem>>
        %dma_start3A_69 = arith.constant 0 : i32
        %dma_start3A_70 = arith.constant 0 : i32
        %dma_start3A_71 = tpu.memref_slice %arg3[%dma_start3A_69, %dma_start3A_70] : memref<1000000x128xf32, #tpu.memory_space<hbm>> -> memref<1000000x128xf32, #tpu.memory_space<hbm>>
        tpu.enqueue_indirect_dma source(%dma_start3A_71 : memref<1000000x128xf32, #tpu.memory_space<hbm>>) target(%dma_start3A_65 : memref<72x128xf32, #tpu.memory_space<vmem>>) offsets(%dma_start3A_68 : memref<72xi32, #tpu.memory_space<vmem>>) semaphore(%arg7 : memref<!tpu.dma_semaphore, #tpu.memory_space<semaphore_mem>>)
        %add3A_72 = arith.constant 2 : i32
        %add3A_73 = arith.addi %mul3A_20, %add3A_72 : i32
        %dma_start3A_74 = arith.constant 2 : i32
        %dma_start3A_75 = arith.constant 0 : i32
        %dma_start3A_76 = arith.constant 0 : i32
        %dma_start3A_77 = tpu.memref_slice %arg6[%dma_start3A_74, %dma_start3A_75, %dma_start3A_76] : memref<4x200x128xf32, #tpu.memory_space<vmem>> -> memref<1x128x128xf32, #tpu.memory_space<vmem>>
        %dma_start3A_78 = tpu.memref_squeeze %dma_start3A_77 : memref<1x128x128xf32, #tpu.memory_space<vmem>> -> memref<128x128xf32, #tpu.memory_space<vmem>>
        %dma_start3A_79 = arith.constant 0 : i32
        %dma_start3A_80 = tpu.memref_slice %arg5[%add3A_73, %dma_start3A_79] : memref<32x200xi32, #tpu.memory_space<vmem>> -> memref<1x128xi32, #tpu.memory_space<vmem>>
        %dma_start3A_81 = tpu.memref_squeeze %dma_start3A_80 : memref<1x128xi32, #tpu.memory_space<vmem>> -> memref<128xi32, #tpu.memory_space<vmem>>
        %dma_start3A_82 = arith.constant 0 : i32
        %dma_start3A_83 = arith.constant 0 : i32
        %dma_start3A_84 = tpu.memref_slice %arg3[%dma_start3A_82, %dma_start3A_83] : memref<1000000x128xf32, #tpu.memory_space<hbm>> -> memref<1000000x128xf32, #tpu.memory_space<hbm>>
        tpu.enqueue_indirect_dma source(%dma_start3A_84 : memref<1000000x128xf32, #tpu.memory_space<hbm>>) target(%dma_start3A_78 : memref<128x128xf32, #tpu.memory_space<vmem>>) offsets(%dma_start3A_81 : memref<128xi32, #tpu.memory_space<vmem>>) semaphore(%arg7 : memref<!tpu.dma_semaphore, #tpu.memory_space<semaphore_mem>>)
        %add3A_85 = arith.constant 2 : i32
        %add3A_86 = arith.addi %mul3A_20, %add3A_85 : i32
        %dma_start3A_87 = arith.constant 2 : i32
        %dma_start3A_88 = arith.constant 128 : i32
        %dma_start3A_89 = arith.constant 0 : i32
        %dma_start3A_90 = tpu.memref_slice %arg6[%dma_start3A_87, %dma_start3A_88, %dma_start3A_89] : memref<4x200x128xf32, #tpu.memory_space<vmem>> -> memref<1x72x128xf32, #tpu.memory_space<vmem>>
        %dma_start3A_91 = tpu.memref_squeeze %dma_start3A_90 : memref<1x72x128xf32, #tpu.memory_space<vmem>> -> memref<72x128xf32, #tpu.memory_space<vmem>>
        %dma_start3A_92 = arith.constant 128 : i32
        %dma_start3A_93 = tpu.memref_slice %arg5[%add3A_86, %dma_start3A_92] : memref<32x200xi32, #tpu.memory_space<vmem>> -> memref<1x72xi32, #tpu.memory_space<vmem>>
        %dma_start3A_94 = tpu.memref_squeeze %dma_start3A_93 : memref<1x72xi32, #tpu.memory_space<vmem>> -> memref<72xi32, #tpu.memory_space<vmem>>
        %dma_start3A_95 = arith.constant 0 : i32
        %dma_start3A_96 = arith.constant 0 : i32
        %dma_start3A_97 = tpu.memref_slice %arg3[%dma_start3A_95, %dma_start3A_96] : memref<1000000x128xf32, #tpu.memory_space<hbm>> -> memref<1000000x128xf32, #tpu.memory_space<hbm>>
        tpu.enqueue_indirect_dma source(%dma_start3A_97 : memref<1000000x128xf32, #tpu.memory_space<hbm>>) target(%dma_start3A_91 : memref<72x128xf32, #tpu.memory_space<vmem>>) offsets(%dma_start3A_94 : memref<72xi32, #tpu.memory_space<vmem>>) semaphore(%arg7 : memref<!tpu.dma_semaphore, #tpu.memory_space<semaphore_mem>>)
        %add3A_98 = arith.constant 3 : i32
        %add3A_99 = arith.addi %mul3A_20, %add3A_98 : i32
        %dma_start3A_100 = arith.constant 3 : i32
        %dma_start3A_101 = arith.constant 0 : i32
        %dma_start3A_102 = arith.constant 0 : i32
        %dma_start3A_103 = tpu.memref_slice %arg6[%dma_start3A_100, %dma_start3A_101, %dma_start3A_102] : memref<4x200x128xf32, #tpu.memory_space<vmem>> -> memref<1x128x128xf32, #tpu.memory_space<vmem>>
        %dma_start3A_104 = tpu.memref_squeeze %dma_start3A_103 : memref<1x128x128xf32, #tpu.memory_space<vmem>> -> memref<128x128xf32, #tpu.memory_space<vmem>>
        %dma_start3A_105 = arith.constant 0 : i32
        %dma_start3A_106 = tpu.memref_slice %arg5[%add3A_99, %dma_start3A_105] : memref<32x200xi32, #tpu.memory_space<vmem>> -> memref<1x128xi32, #tpu.memory_space<vmem>>
        %dma_start3A_107 = tpu.memref_squeeze %dma_start3A_106 : memref<1x128xi32, #tpu.memory_space<vmem>> -> memref<128xi32, #tpu.memory_space<vmem>>
        %dma_start3A_108 = arith.constant 0 : i32
        %dma_start3A_109 = arith.constant 0 : i32
        %dma_start3A_110 = tpu.memref_slice %arg3[%dma_start3A_108, %dma_start3A_109] : memref<1000000x128xf32, #tpu.memory_space<hbm>> -> memref<1000000x128xf32, #tpu.memory_space<hbm>>
        tpu.enqueue_indirect_dma source(%dma_start3A_110 : memref<1000000x128xf32, #tpu.memory_space<hbm>>) target(%dma_start3A_104 : memref<128x128xf32, #tpu.memory_space<vmem>>) offsets(%dma_start3A_107 : memref<128xi32, #tpu.memory_space<vmem>>) semaphore(%arg7 : memref<!tpu.dma_semaphore, #tpu.memory_space<semaphore_mem>>)
        %add3A_111 = arith.constant 3 : i32
        %add3A_112 = arith.addi %mul3A_20, %add3A_111 : i32
        %dma_start3A_113 = arith.constant 3 : i32
        %dma_start3A_114 = arith.constant 128 : i32
        %dma_start3A_115 = arith.constant 0 : i32
        %dma_start3A_116 = tpu.memref_slice %arg6[%dma_start3A_113, %dma_start3A_114, %dma_start3A_115] : memref<4x200x128xf32, #tpu.memory_space<vmem>> -> memref<1x72x128xf32, #tpu.memory_space<vmem>>
        %dma_start3A_117 = tpu.memref_squeeze %dma_start3A_116 : memref<1x72x128xf32, #tpu.memory_space<vmem>> -> memref<72x128xf32, #tpu.memory_space<vmem>>
        %dma_start3A_118 = arith.constant 128 : i32
        %dma_start3A_119 = tpu.memref_slice %arg5[%add3A_112, %dma_start3A_118] : memref<32x200xi32, #tpu.memory_space<vmem>> -> memref<1x72xi32, #tpu.memory_space<vmem>>
        %dma_start3A_120 = tpu.memref_squeeze %dma_start3A_119 : memref<1x72xi32, #tpu.memory_space<vmem>> -> memref<72xi32, #tpu.memory_space<vmem>>
        %dma_start3A_121 = arith.constant 0 : i32
        %dma_start3A_122 = arith.constant 0 : i32
        %dma_start3A_123 = tpu.memref_slice %arg3[%dma_start3A_121, %dma_start3A_122] : memref<1000000x128xf32, #tpu.memory_space<hbm>> -> memref<1000000x128xf32, #tpu.memory_space<hbm>>
        tpu.enqueue_indirect_dma source(%dma_start3A_123 : memref<1000000x128xf32, #tpu.memory_space<hbm>>) target(%dma_start3A_117 : memref<72x128xf32, #tpu.memory_space<vmem>>) offsets(%dma_start3A_120 : memref<72xi32, #tpu.memory_space<vmem>>) semaphore(%arg7 : memref<!tpu.dma_semaphore, #tpu.memory_space<semaphore_mem>>)
        %dma_wait3A = arith.constant 0 : i32
        %dma_wait3A_124 = arith.constant 0 : i32
        %dma_wait3A_125 = arith.constant 0 : i32
        %dma_wait3A_126 = tpu.memref_slice %arg6[%dma_wait3A, %dma_wait3A_124, %dma_wait3A_125] : memref<4x200x128xf32, #tpu.memory_space<vmem>> -> memref<1x128x128xf32, #tpu.memory_space<vmem>>
        %dma_wait3A_127 = tpu.memref_squeeze %dma_wait3A_126 : memref<1x128x128xf32, #tpu.memory_space<vmem>> -> memref<128x128xf32, #tpu.memory_space<vmem>>
        %dma_wait3A_128 = arith.constant 0 : i32
        %dma_wait3A_129 = tpu.memref_slice %arg5[%add3A_22, %dma_wait3A_128] : memref<32x200xi32, #tpu.memory_space<vmem>> -> memref<1x128xi32, #tpu.memory_space<vmem>>
        %dma_wait3A_130 = tpu.memref_squeeze %dma_wait3A_129 : memref<1x128xi32, #tpu.memory_space<vmem>> -> memref<128xi32, #tpu.memory_space<vmem>>
        %dma_wait3A_131 = arith.constant 0 : i32
        %dma_wait3A_132 = arith.constant 0 : i32
        %dma_wait3A_133 = tpu.memref_slice %arg3[%dma_wait3A_131, %dma_wait3A_132] : memref<1000000x128xf32, #tpu.memory_space<hbm>> -> memref<1000000x128xf32, #tpu.memory_space<hbm>>
        tpu.wait_indirect_dma semaphore(%arg7 : memref<!tpu.dma_semaphore, #tpu.memory_space<semaphore_mem>>) src(%dma_wait3A_133 : memref<1000000x128xf32, #tpu.memory_space<hbm>>) dst(%dma_wait3A_127 : memref<128x128xf32, #tpu.memory_space<vmem>>)
        %dma_wait3A_134 = arith.constant 0 : i32
        %dma_wait3A_135 = arith.constant 128 : i32
        %dma_wait3A_136 = arith.constant 0 : i32
        %dma_wait3A_137 = tpu.memref_slice %arg6[%dma_wait3A_134, %dma_wait3A_135, %dma_wait3A_136] : memref<4x200x128xf32, #tpu.memory_space<vmem>> -> memref<1x72x128xf32, #tpu.memory_space<vmem>>
        %dma_wait3A_138 = tpu.memref_squeeze %dma_wait3A_137 : memref<1x72x128xf32, #tpu.memory_space<vmem>> -> memref<72x128xf32, #tpu.memory_space<vmem>>
        %dma_wait3A_139 = arith.constant 128 : i32
        %dma_wait3A_140 = tpu.memref_slice %arg5[%add3A_34, %dma_wait3A_139] : memref<32x200xi32, #tpu.memory_space<vmem>> -> memref<1x72xi32, #tpu.memory_space<vmem>>
        %dma_wait3A_141 = tpu.memref_squeeze %dma_wait3A_140 : memref<1x72xi32, #tpu.memory_space<vmem>> -> memref<72xi32, #tpu.memory_space<vmem>>
        %dma_wait3A_142 = arith.constant 0 : i32
        %dma_wait3A_143 = arith.constant 0 : i32
        %dma_wait3A_144 = tpu.memref_slice %arg3[%dma_wait3A_142, %dma_wait3A_143] : memref<1000000x128xf32, #tpu.memory_space<hbm>> -> memref<1000000x128xf32, #tpu.memory_space<hbm>>
        tpu.wait_indirect_dma semaphore(%arg7 : memref<!tpu.dma_semaphore, #tpu.memory_space<semaphore_mem>>) src(%dma_wait3A_144 : memref<1000000x128xf32, #tpu.memory_space<hbm>>) dst(%dma_wait3A_138 : memref<72x128xf32, #tpu.memory_space<vmem>>)
        %dma_wait3A_145 = arith.constant 1 : i32
        %dma_wait3A_146 = arith.constant 0 : i32
        %dma_wait3A_147 = arith.constant 0 : i32
        %dma_wait3A_148 = tpu.memref_slice %arg6[%dma_wait3A_145, %dma_wait3A_146, %dma_wait3A_147] : memref<4x200x128xf32, #tpu.memory_space<vmem>> -> memref<1x128x128xf32, #tpu.memory_space<vmem>>
        %dma_wait3A_149 = tpu.memref_squeeze %dma_wait3A_148 : memref<1x128x128xf32, #tpu.memory_space<vmem>> -> memref<128x128xf32, #tpu.memory_space<vmem>>
        %dma_wait3A_150 = arith.constant 0 : i32
        %dma_wait3A_151 = tpu.memref_slice %arg5[%add3A_47, %dma_wait3A_150] : memref<32x200xi32, #tpu.memory_space<vmem>> -> memref<1x128xi32, #tpu.memory_space<vmem>>
        %dma_wait3A_152 = tpu.memref_squeeze %dma_wait3A_151 : memref<1x128xi32, #tpu.memory_space<vmem>> -> memref<128xi32, #tpu.memory_space<vmem>>
        %dma_wait3A_153 = arith.constant 0 : i32
        %dma_wait3A_154 = arith.constant 0 : i32
        %dma_wait3A_155 = tpu.memref_slice %arg3[%dma_wait3A_153, %dma_wait3A_154] : memref<1000000x128xf32, #tpu.memory_space<hbm>> -> memref<1000000x128xf32, #tpu.memory_space<hbm>>
        tpu.wait_indirect_dma semaphore(%arg7 : memref<!tpu.dma_semaphore, #tpu.memory_space<semaphore_mem>>) src(%dma_wait3A_155 : memref<1000000x128xf32, #tpu.memory_space<hbm>>) dst(%dma_wait3A_149 : memref<128x128xf32, #tpu.memory_space<vmem>>)
        %dma_wait3A_156 = arith.constant 1 : i32
        %dma_wait3A_157 = arith.constant 128 : i32
        %dma_wait3A_158 = arith.constant 0 : i32
        %dma_wait3A_159 = tpu.memref_slice %arg6[%dma_wait3A_156, %dma_wait3A_157, %dma_wait3A_158] : memref<4x200x128xf32, #tpu.memory_space<vmem>> -> memref<1x72x128xf32, #tpu.memory_space<vmem>>
        %dma_wait3A_160 = tpu.memref_squeeze %dma_wait3A_159 : memref<1x72x128xf32, #tpu.memory_space<vmem>> -> memref<72x128xf32, #tpu.memory_space<vmem>>
        %dma_wait3A_161 = arith.constant 128 : i32
        %dma_wait3A_162 = tpu.memref_slice %arg5[%add3A_60, %dma_wait3A_161] : memref<32x200xi32, #tpu.memory_space<vmem>> -> memref<1x72xi32, #tpu.memory_space<vmem>>
        %dma_wait3A_163 = tpu.memref_squeeze %dma_wait3A_162 : memref<1x72xi32, #tpu.memory_space<vmem>> -> memref<72xi32, #tpu.memory_space<vmem>>
        %dma_wait3A_164 = arith.constant 0 : i32
        %dma_wait3A_165 = arith.constant 0 : i32
        %dma_wait3A_166 = tpu.memref_slice %arg3[%dma_wait3A_164, %dma_wait3A_165] : memref<1000000x128xf32, #tpu.memory_space<hbm>> -> memref<1000000x128xf32, #tpu.memory_space<hbm>>
        tpu.wait_indirect_dma semaphore(%arg7 : memref<!tpu.dma_semaphore, #tpu.memory_space<semaphore_mem>>) src(%dma_wait3A_166 : memref<1000000x128xf32, #tpu.memory_space<hbm>>) dst(%dma_wait3A_160 : memref<72x128xf32, #tpu.memory_space<vmem>>)
        %dma_wait3A_167 = arith.constant 2 : i32
        %dma_wait3A_168 = arith.constant 0 : i32
        %dma_wait3A_169 = arith.constant 0 : i32
        %dma_wait3A_170 = tpu.memref_slice %arg6[%dma_wait3A_167, %dma_wait3A_168, %dma_wait3A_169] : memref<4x200x128xf32, #tpu.memory_space<vmem>> -> memref<1x128x128xf32, #tpu.memory_space<vmem>>
        %dma_wait3A_171 = tpu.memref_squeeze %dma_wait3A_170 : memref<1x128x128xf32, #tpu.memory_space<vmem>> -> memref<128x128xf32, #tpu.memory_space<vmem>>
        %dma_wait3A_172 = arith.constant 0 : i32
        %dma_wait3A_173 = tpu.memref_slice %arg5[%add3A_73, %dma_wait3A_172] : memref<32x200xi32, #tpu.memory_space<vmem>> -> memref<1x128xi32, #tpu.memory_space<vmem>>
        %dma_wait3A_174 = tpu.memref_squeeze %dma_wait3A_173 : memref<1x128xi32, #tpu.memory_space<vmem>> -> memref<128xi32, #tpu.memory_space<vmem>>
        %dma_wait3A_175 = arith.constant 0 : i32
        %dma_wait3A_176 = arith.constant 0 : i32
        %dma_wait3A_177 = tpu.memref_slice %arg3[%dma_wait3A_175, %dma_wait3A_176] : memref<1000000x128xf32, #tpu.memory_space<hbm>> -> memref<1000000x128xf32, #tpu.memory_space<hbm>>
        tpu.wait_indirect_dma semaphore(%arg7 : memref<!tpu.dma_semaphore, #tpu.memory_space<semaphore_mem>>) src(%dma_wait3A_177 : memref<1000000x128xf32, #tpu.memory_space<hbm>>) dst(%dma_wait3A_171 : memref<128x128xf32, #tpu.memory_space<vmem>>)
        %dma_wait3A_178 = arith.constant 2 : i32
        %dma_wait3A_179 = arith.constant 128 : i32
        %dma_wait3A_180 = arith.constant 0 : i32
        %dma_wait3A_181 = tpu.memref_slice %arg6[%dma_wait3A_178, %dma_wait3A_179, %dma_wait3A_180] : memref<4x200x128xf32, #tpu.memory_space<vmem>> -> memref<1x72x128xf32, #tpu.memory_space<vmem>>
        %dma_wait3A_182 = tpu.memref_squeeze %dma_wait3A_181 : memref<1x72x128xf32, #tpu.memory_space<vmem>> -> memref<72x128xf32, #tpu.memory_space<vmem>>
        %dma_wait3A_183 = arith.constant 128 : i32
        %dma_wait3A_184 = tpu.memref_slice %arg5[%add3A_86, %dma_wait3A_183] : memref<32x200xi32, #tpu.memory_space<vmem>> -> memref<1x72xi32, #tpu.memory_space<vmem>>
        %dma_wait3A_185 = tpu.memref_squeeze %dma_wait3A_184 : memref<1x72xi32, #tpu.memory_space<vmem>> -> memref<72xi32, #tpu.memory_space<vmem>>
        %dma_wait3A_186 = arith.constant 0 : i32
        %dma_wait3A_187 = arith.constant 0 : i32
        %dma_wait3A_188 = tpu.memref_slice %arg3[%dma_wait3A_186, %dma_wait3A_187] : memref<1000000x128xf32, #tpu.memory_space<hbm>> -> memref<1000000x128xf32, #tpu.memory_space<hbm>>
        tpu.wait_indirect_dma semaphore(%arg7 : memref<!tpu.dma_semaphore, #tpu.memory_space<semaphore_mem>>) src(%dma_wait3A_188 : memref<1000000x128xf32, #tpu.memory_space<hbm>>) dst(%dma_wait3A_182 : memref<72x128xf32, #tpu.memory_space<vmem>>)
        %dma_wait3A_189 = arith.constant 3 : i32
        %dma_wait3A_190 = arith.constant 0 : i32
        %dma_wait3A_191 = arith.constant 0 : i32
        %dma_wait3A_192 = tpu.memref_slice %arg6[%dma_wait3A_189, %dma_wait3A_190, %dma_wait3A_191] : memref<4x200x128xf32, #tpu.memory_space<vmem>> -> memref<1x128x128xf32, #tpu.memory_space<vmem>>
        %dma_wait3A_193 = tpu.memref_squeeze %dma_wait3A_192 : memref<1x128x128xf32, #tpu.memory_space<vmem>> -> memref<128x128xf32, #tpu.memory_space<vmem>>
        %dma_wait3A_194 = arith.constant 0 : i32
        %dma_wait3A_195 = tpu.memref_slice %arg5[%add3A_99, %dma_wait3A_194] : memref<32x200xi32, #tpu.memory_space<vmem>> -> memref<1x128xi32, #tpu.memory_space<vmem>>
        %dma_wait3A_196 = tpu.memref_squeeze %dma_wait3A_195 : memref<1x128xi32, #tpu.memory_space<vmem>> -> memref<128xi32, #tpu.memory_space<vmem>>
        %dma_wait3A_197 = arith.constant 0 : i32
        %dma_wait3A_198 = arith.constant 0 : i32
        %dma_wait3A_199 = tpu.memref_slice %arg3[%dma_wait3A_197, %dma_wait3A_198] : memref<1000000x128xf32, #tpu.memory_space<hbm>> -> memref<1000000x128xf32, #tpu.memory_space<hbm>>
        tpu.wait_indirect_dma semaphore(%arg7 : memref<!tpu.dma_semaphore, #tpu.memory_space<semaphore_mem>>) src(%dma_wait3A_199 : memref<1000000x128xf32, #tpu.memory_space<hbm>>) dst(%dma_wait3A_193 : memref<128x128xf32, #tpu.memory_space<vmem>>)
        %dma_wait3A_200 = arith.constant 3 : i32
        %dma_wait3A_201 = arith.constant 128 : i32
        %dma_wait3A_202 = arith.constant 0 : i32
        %dma_wait3A_203 = tpu.memref_slice %arg6[%dma_wait3A_200, %dma_wait3A_201, %dma_wait3A_202] : memref<4x200x128xf32, #tpu.memory_space<vmem>> -> memref<1x72x128xf32, #tpu.memory_space<vmem>>
        %dma_wait3A_204 = tpu.memref_squeeze %dma_wait3A_203 : memref<1x72x128xf32, #tpu.memory_space<vmem>> -> memref<72x128xf32, #tpu.memory_space<vmem>>
        %dma_wait3A_205 = arith.constant 128 : i32
        %dma_wait3A_206 = tpu.memref_slice %arg5[%add3A_112, %dma_wait3A_205] : memref<32x200xi32, #tpu.memory_space<vmem>> -> memref<1x72xi32, #tpu.memory_space<vmem>>
        %dma_wait3A_207 = tpu.memref_squeeze %dma_wait3A_206 : memref<1x72xi32, #tpu.memory_space<vmem>> -> memref<72xi32, #tpu.memory_space<vmem>>
        %dma_wait3A_208 = arith.constant 0 : i32
        %dma_wait3A_209 = arith.constant 0 : i32
        %dma_wait3A_210 = tpu.memref_slice %arg3[%dma_wait3A_208, %dma_wait3A_209] : memref<1000000x128xf32, #tpu.memory_space<hbm>> -> memref<1000000x128xf32, #tpu.memory_space<hbm>>
        tpu.wait_indirect_dma semaphore(%arg7 : memref<!tpu.dma_semaphore, #tpu.memory_space<semaphore_mem>>) src(%dma_wait3A_210 : memref<1000000x128xf32, #tpu.memory_space<hbm>>) dst(%dma_wait3A_204 : memref<72x128xf32, #tpu.memory_space<vmem>>)
        %mul3A_211 = arith.constant 32 : i32
        %mul3A_212 = arith.muli %scan3A_8, %mul3A_211 : i32
        %add3A_213 = arith.addi %mul3A_2, %mul3A_212 : i32
        %add3A_214 = arith.addi %add3A_213, %mul3A_20 : i32
        "tpu.region"() ({
          %run_scoped3A = tpu.sem_alloc : memref<!tpu.dma_semaphore, #tpu.memory_space<semaphore_mem>>
          %dma_start3A_215 = arith.constant 0 : i32
          %dma_start3A_216 = arith.constant 0 : i32
          %dma_start3A_217 = tpu.memref_slice %arg4[%add3A_214, %dma_start3A_215, %dma_start3A_216] : memref<4096x200x128xf32, #tpu.memory_space<hbm>> -> memref<4x200x128xf32, #tpu.memory_space<hbm>>
          %dma_start3A_218 = arith.constant 0 : i32
          %dma_start3A_219 = arith.constant 0 : i32
          %dma_start3A_220 = tpu.memref_slice %arg4[%add3A_214, %dma_start3A_218, %dma_start3A_219] : memref<4096x200x128xf32, #tpu.memory_space<hbm>> -> memref<4x200x128xf32, #tpu.memory_space<hbm>>
          tpu.enqueue_dma source(%arg6 : memref<4x200x128xf32, #tpu.memory_space<vmem>>) target(%dma_start3A_220 : memref<4x200x128xf32, #tpu.memory_space<hbm>>) target_semaphore(%run_scoped3A : memref<!tpu.dma_semaphore, #tpu.memory_space<semaphore_mem>>)
          %dma_wait3A_221 = arith.constant 0 : i32
          %dma_wait3A_222 = arith.constant 0 : i32
          %dma_wait3A_223 = tpu.memref_slice %arg4[%add3A_214, %dma_wait3A_221, %dma_wait3A_222] : memref<4096x200x128xf32, #tpu.memory_space<hbm>> -> memref<4x200x128xf32, #tpu.memory_space<hbm>>
          %dma_wait3A_224 = arith.constant 0 : i32
          %dma_wait3A_225 = arith.constant 0 : i32
          %dma_wait3A_226 = tpu.memref_slice %arg4[%add3A_214, %dma_wait3A_224, %dma_wait3A_225] : memref<4096x200x128xf32, #tpu.memory_space<hbm>> -> memref<4x200x128xf32, #tpu.memory_space<hbm>>
          tpu.wait_dma2 semaphore(%run_scoped3A : memref<!tpu.dma_semaphore, #tpu.memory_space<semaphore_mem>>) src(%arg6 : memref<4x200x128xf32, #tpu.memory_space<vmem>>) dst(%dma_wait3A_226 : memref<4x200x128xf32, #tpu.memory_space<hbm>>)
          tpu.yield
        }) : () -> ()
      }
      %scan3A_17 = arith.constant 8 : i32
    }
    %scan3A_7 = arith.constant 4 : i32
    return
  }
}

module attributes {stable_mosaic.version = 14 : i64} {
  func.func @_ln_body(%arg0: i32, %arg1: i32, %arg2: memref<128x40x128xf32, #tpu.memory_space<vmem>>, %arg3: memref<1x40x64xf32, #tpu.memory_space<vmem>>, %arg4: memref<1x1x64xf32, #tpu.memory_space<vmem>>, %arg5: memref<1x1x64xf32, #tpu.memory_space<vmem>>, %arg6: memref<40x64x128xf32, #tpu.memory_space<vmem>>) attributes {dimension_semantics = [#tpu.dimension_semantics<arbitrary>, #tpu.dimension_semantics<arbitrary>], iteration_bounds = array<i64: 32, 5>, scalar_prefetch = 0 : i64, scratch_operands = 0 : i64, tpu.core_type = #tpu.core_type<tc>, window_params = [{transform_indices = @transform_0, window_bounds = array<i64: 128, 40, 128>}, {transform_indices = @transform_1, window_bounds = array<i64: 1, 40, 64>}, {pipeline_mode = #tpu.pipeline_mode<synchronous>, transform_indices = @transform_2, window_bounds = array<i64: 1, 1, 64>}, {pipeline_mode = #tpu.pipeline_mode<synchronous>, transform_indices = @transform_3, window_bounds = array<i64: 1, 1, 64>}, {transform_indices = @transform_4, window_bounds = array<i64: 40, 64, 128>}]} {
    %get3A = arith.constant 0 : index
    %get3A_0 = arith.constant 0 : index
    %get3A_1 = arith.constant 0 : index
    %get3A_2 = vector.load %arg2[%get3A, %get3A_0, %get3A_1] : memref<128x40x128xf32, #tpu.memory_space<vmem>>, vector<128x40x128xf32>
    %slice3A = vector.extract_strided_slice %get3A_2 {offsets = [0, 0, 0], sizes = [128, 40, 64], strides = [1, 1, 1]} : vector<128x40x128xf32> to vector<128x40x64xf32>
    %get3A_3 = arith.constant 0 : index
    %get3A_4 = arith.constant 0 : index
    %get3A_5 = arith.constant 0 : index
    %get3A_6 = vector.load %arg3[%get3A_3, %get3A_4, %get3A_5] : memref<1x40x64xf32, #tpu.memory_space<vmem>>, vector<1x40x64xf32>
    %add3A = vector.broadcast %get3A_6 : vector<1x40x64xf32> to vector<128x40x64xf32>
    %add3A_7 = arith.addf %slice3A, %add3A : vector<128x40x64xf32>
    %reduce_sum3A = arith.constant dense<0.000000e+00> : vector<128x40xf32>
    %reduce_sum3A_8 = vector.multi_reduction <add>, %add3A_7, %reduce_sum3A [2] : vector<128x40x64xf32> to vector<128x40xf32>
    %broadcast_in_dim3A = vector.shape_cast %reduce_sum3A_8 : vector<128x40xf32> to vector<128x40x1xf32>
    %div3A = arith.constant 6.400000e+01 : f32
    %div3A_9 = vector.broadcast %div3A : f32 to vector<128x40x1xf32>
    %div3A_10 = arith.divf %broadcast_in_dim3A, %div3A_9 : vector<128x40x1xf32>
    %sub3A = vector.broadcast %div3A_10 : vector<128x40x1xf32> to vector<128x40x64xf32>
    %sub3A_11 = arith.subf %add3A_7, %sub3A : vector<128x40x64xf32>
    %mul3A = arith.mulf %sub3A_11, %sub3A_11 : vector<128x40x64xf32>
    %reduce_sum3A_12 = arith.constant dense<0.000000e+00> : vector<128x40xf32>
    %reduce_sum3A_13 = vector.multi_reduction <add>, %mul3A, %reduce_sum3A_12 [2] : vector<128x40x64xf32> to vector<128x40xf32>
    %broadcast_in_dim3A_14 = vector.shape_cast %reduce_sum3A_13 : vector<128x40xf32> to vector<128x40x1xf32>
    %div3A_15 = arith.constant 6.400000e+01 : f32
    %div3A_16 = vector.broadcast %div3A_15 : f32 to vector<128x40x1xf32>
    %div3A_17 = arith.divf %broadcast_in_dim3A_14, %div3A_16 : vector<128x40x1xf32>
    %add3A_18 = arith.constant 9.99999974E-6 : f32
    %add3A_19 = vector.broadcast %add3A_18 : f32 to vector<128x40x1xf32>
    %add3A_20 = arith.addf %div3A_17, %add3A_19 : vector<128x40x1xf32>
    %rsqrt3A = math.rsqrt %add3A_20 : vector<128x40x1xf32>
    %mul3A_21 = vector.broadcast %rsqrt3A : vector<128x40x1xf32> to vector<128x40x64xf32>
    %mul3A_22 = arith.mulf %sub3A_11, %mul3A_21 : vector<128x40x64xf32>
    %get3A_23 = arith.constant 0 : index
    %get3A_24 = arith.constant 0 : index
    %get3A_25 = arith.constant 0 : index
    %get3A_26 = vector.load %arg4[%get3A_23, %get3A_24, %get3A_25] : memref<1x1x64xf32, #tpu.memory_space<vmem>>, vector<1x1x64xf32>
    %mul3A_27 = vector.broadcast %get3A_26 : vector<1x1x64xf32> to vector<128x40x64xf32>
    %mul3A_28 = arith.mulf %mul3A_22, %mul3A_27 : vector<128x40x64xf32>
    %get3A_29 = arith.constant 0 : index
    %get3A_30 = arith.constant 0 : index
    %get3A_31 = arith.constant 0 : index
    %get3A_32 = vector.load %arg5[%get3A_29, %get3A_30, %get3A_31] : memref<1x1x64xf32, #tpu.memory_space<vmem>>, vector<1x1x64xf32>
    %add3A_33 = vector.broadcast %get3A_32 : vector<1x1x64xf32> to vector<128x40x64xf32>
    %add3A_34 = arith.addf %mul3A_28, %add3A_33 : vector<128x40x64xf32>
    %slice3A_35 = vector.extract_strided_slice %add3A_34 {offsets = [0, 0, 0], sizes = [128, 1, 64], strides = [1, 1, 1]} : vector<128x40x64xf32> to vector<128x1x64xf32>
    %squeeze3A = vector.shape_cast %slice3A_35 : vector<128x1x64xf32> to vector<128x64xf32>
    %transpose3A = tpu.transpose %squeeze3A, [1, 0] : vector<128x64xf32> -> vector<64x128xf32>
    %swap3A = arith.constant 0 : index
    %swap3A_36 = arith.constant 0 : index
    %swap3A_37 = arith.constant 0 : index
    %swap3A_38 = vector.load %arg6[%swap3A, %swap3A_36, %swap3A_37] : memref<40x64x128xf32, #tpu.memory_space<vmem>>, vector<1x64x128xf32>
    %swap3A_39 = vector.shape_cast %swap3A_38 : vector<1x64x128xf32> to vector<64x128xf32>
    %swap3A_40 = vector.shape_cast %transpose3A : vector<64x128xf32> to vector<1x64x128xf32>
    tpu.vector_store %arg6[%swap3A, %swap3A_36, %swap3A_37], %swap3A_40 {strides = array<i32>} : memref<40x64x128xf32, #tpu.memory_space<vmem>>, vector<1x64x128xf32>,
    %slice3A_41 = vector.extract_strided_slice %add3A_34 {offsets = [0, 1, 0], sizes = [128, 1, 64], strides = [1, 1, 1]} : vector<128x40x64xf32> to vector<128x1x64xf32>
    %squeeze3A_42 = vector.shape_cast %slice3A_41 : vector<128x1x64xf32> to vector<128x64xf32>
    %transpose3A_43 = tpu.transpose %squeeze3A_42, [1, 0] : vector<128x64xf32> -> vector<64x128xf32>
    %swap3A_44 = arith.constant 1 : index
    %swap3A_45 = arith.constant 0 : index
    %swap3A_46 = arith.constant 0 : index
    %swap3A_47 = vector.load %arg6[%swap3A_44, %swap3A_45, %swap3A_46] : memref<40x64x128xf32, #tpu.memory_space<vmem>>, vector<1x64x128xf32>
    %swap3A_48 = vector.shape_cast %swap3A_47 : vector<1x64x128xf32> to vector<64x128xf32>
    %swap3A_49 = vector.shape_cast %transpose3A_43 : vector<64x128xf32> to vector<1x64x128xf32>
    tpu.vector_store %arg6[%swap3A_44, %swap3A_45, %swap3A_46], %swap3A_49 {strides = array<i32>} : memref<40x64x128xf32, #tpu.memory_space<vmem>>, vector<1x64x128xf32>,
    %slice3A_50 = vector.extract_strided_slice %add3A_34 {offsets = [0, 2, 0], sizes = [128, 1, 64], strides = [1, 1, 1]} : vector<128x40x64xf32> to vector<128x1x64xf32>
    %squeeze3A_51 = vector.shape_cast %slice3A_50 : vector<128x1x64xf32> to vector<128x64xf32>
    %transpose3A_52 = tpu.transpose %squeeze3A_51, [1, 0] : vector<128x64xf32> -> vector<64x128xf32>
    %swap3A_53 = arith.constant 2 : index
    %swap3A_54 = arith.constant 0 : index
    %swap3A_55 = arith.constant 0 : index
    %swap3A_56 = vector.load %arg6[%swap3A_53, %swap3A_54, %swap3A_55] : memref<40x64x128xf32, #tpu.memory_space<vmem>>, vector<1x64x128xf32>
    %swap3A_57 = vector.shape_cast %swap3A_56 : vector<1x64x128xf32> to vector<64x128xf32>
    %swap3A_58 = vector.shape_cast %transpose3A_52 : vector<64x128xf32> to vector<1x64x128xf32>
    tpu.vector_store %arg6[%swap3A_53, %swap3A_54, %swap3A_55], %swap3A_58 {strides = array<i32>} : memref<40x64x128xf32, #tpu.memory_space<vmem>>, vector<1x64x128xf32>,
    %slice3A_59 = vector.extract_strided_slice %add3A_34 {offsets = [0, 3, 0], sizes = [128, 1, 64], strides = [1, 1, 1]} : vector<128x40x64xf32> to vector<128x1x64xf32>
    %squeeze3A_60 = vector.shape_cast %slice3A_59 : vector<128x1x64xf32> to vector<128x64xf32>
    %transpose3A_61 = tpu.transpose %squeeze3A_60, [1, 0] : vector<128x64xf32> -> vector<64x128xf32>
    %swap3A_62 = arith.constant 3 : index
    %swap3A_63 = arith.constant 0 : index
    %swap3A_64 = arith.constant 0 : index
    %swap3A_65 = vector.load %arg6[%swap3A_62, %swap3A_63, %swap3A_64] : memref<40x64x128xf32, #tpu.memory_space<vmem>>, vector<1x64x128xf32>
    %swap3A_66 = vector.shape_cast %swap3A_65 : vector<1x64x128xf32> to vector<64x128xf32>
    %swap3A_67 = vector.shape_cast %transpose3A_61 : vector<64x128xf32> to vector<1x64x128xf32>
    tpu.vector_store %arg6[%swap3A_62, %swap3A_63, %swap3A_64], %swap3A_67 {strides = array<i32>} : memref<40x64x128xf32, #tpu.memory_space<vmem>>, vector<1x64x128xf32>,
    %slice3A_68 = vector.extract_strided_slice %add3A_34 {offsets = [0, 4, 0], sizes = [128, 1, 64], strides = [1, 1, 1]} : vector<128x40x64xf32> to vector<128x1x64xf32>
    %squeeze3A_69 = vector.shape_cast %slice3A_68 : vector<128x1x64xf32> to vector<128x64xf32>
    %transpose3A_70 = tpu.transpose %squeeze3A_69, [1, 0] : vector<128x64xf32> -> vector<64x128xf32>
    %swap3A_71 = arith.constant 4 : index
    %swap3A_72 = arith.constant 0 : index
    %swap3A_73 = arith.constant 0 : index
    %swap3A_74 = vector.load %arg6[%swap3A_71, %swap3A_72, %swap3A_73] : memref<40x64x128xf32, #tpu.memory_space<vmem>>, vector<1x64x128xf32>
    %swap3A_75 = vector.shape_cast %swap3A_74 : vector<1x64x128xf32> to vector<64x128xf32>
    %swap3A_76 = vector.shape_cast %transpose3A_70 : vector<64x128xf32> to vector<1x64x128xf32>
    tpu.vector_store %arg6[%swap3A_71, %swap3A_72, %swap3A_73], %swap3A_76 {strides = array<i32>} : memref<40x64x128xf32, #tpu.memory_space<vmem>>, vector<1x64x128xf32>,
    %slice3A_77 = vector.extract_strided_slice %add3A_34 {offsets = [0, 5, 0], sizes = [128, 1, 64], strides = [1, 1, 1]} : vector<128x40x64xf32> to vector<128x1x64xf32>
    %squeeze3A_78 = vector.shape_cast %slice3A_77 : vector<128x1x64xf32> to vector<128x64xf32>
    %transpose3A_79 = tpu.transpose %squeeze3A_78, [1, 0] : vector<128x64xf32> -> vector<64x128xf32>
    %swap3A_80 = arith.constant 5 : index
    %swap3A_81 = arith.constant 0 : index
    %swap3A_82 = arith.constant 0 : index
    %swap3A_83 = vector.load %arg6[%swap3A_80, %swap3A_81, %swap3A_82] : memref<40x64x128xf32, #tpu.memory_space<vmem>>, vector<1x64x128xf32>
    %swap3A_84 = vector.shape_cast %swap3A_83 : vector<1x64x128xf32> to vector<64x128xf32>
    %swap3A_85 = vector.shape_cast %transpose3A_79 : vector<64x128xf32> to vector<1x64x128xf32>
    tpu.vector_store %arg6[%swap3A_80, %swap3A_81, %swap3A_82], %swap3A_85 {strides = array<i32>} : memref<40x64x128xf32, #tpu.memory_space<vmem>>, vector<1x64x128xf32>,
    %slice3A_86 = vector.extract_strided_slice %add3A_34 {offsets = [0, 6, 0], sizes = [128, 1, 64], strides = [1, 1, 1]} : vector<128x40x64xf32> to vector<128x1x64xf32>
    %squeeze3A_87 = vector.shape_cast %slice3A_86 : vector<128x1x64xf32> to vector<128x64xf32>
    %transpose3A_88 = tpu.transpose %squeeze3A_87, [1, 0] : vector<128x64xf32> -> vector<64x128xf32>
    %swap3A_89 = arith.constant 6 : index
    %swap3A_90 = arith.constant 0 : index
    %swap3A_91 = arith.constant 0 : index
    %swap3A_92 = vector.load %arg6[%swap3A_89, %swap3A_90, %swap3A_91] : memref<40x64x128xf32, #tpu.memory_space<vmem>>, vector<1x64x128xf32>
    %swap3A_93 = vector.shape_cast %swap3A_92 : vector<1x64x128xf32> to vector<64x128xf32>
    %swap3A_94 = vector.shape_cast %transpose3A_88 : vector<64x128xf32> to vector<1x64x128xf32>
    tpu.vector_store %arg6[%swap3A_89, %swap3A_90, %swap3A_91], %swap3A_94 {strides = array<i32>} : memref<40x64x128xf32, #tpu.memory_space<vmem>>, vector<1x64x128xf32>,
    %slice3A_95 = vector.extract_strided_slice %add3A_34 {offsets = [0, 7, 0], sizes = [128, 1, 64], strides = [1, 1, 1]} : vector<128x40x64xf32> to vector<128x1x64xf32>
    %squeeze3A_96 = vector.shape_cast %slice3A_95 : vector<128x1x64xf32> to vector<128x64xf32>
    %transpose3A_97 = tpu.transpose %squeeze3A_96, [1, 0] : vector<128x64xf32> -> vector<64x128xf32>
    %swap3A_98 = arith.constant 7 : index
    %swap3A_99 = arith.constant 0 : index
    %swap3A_100 = arith.constant 0 : index
    %swap3A_101 = vector.load %arg6[%swap3A_98, %swap3A_99, %swap3A_100] : memref<40x64x128xf32, #tpu.memory_space<vmem>>, vector<1x64x128xf32>
    %swap3A_102 = vector.shape_cast %swap3A_101 : vector<1x64x128xf32> to vector<64x128xf32>
    %swap3A_103 = vector.shape_cast %transpose3A_97 : vector<64x128xf32> to vector<1x64x128xf32>
    tpu.vector_store %arg6[%swap3A_98, %swap3A_99, %swap3A_100], %swap3A_103 {strides = array<i32>} : memref<40x64x128xf32, #tpu.memory_space<vmem>>, vector<1x64x128xf32>,
    %slice3A_104 = vector.extract_strided_slice %add3A_34 {offsets = [0, 8, 0], sizes = [128, 1, 64], strides = [1, 1, 1]} : vector<128x40x64xf32> to vector<128x1x64xf32>
    %squeeze3A_105 = vector.shape_cast %slice3A_104 : vector<128x1x64xf32> to vector<128x64xf32>
    %transpose3A_106 = tpu.transpose %squeeze3A_105, [1, 0] : vector<128x64xf32> -> vector<64x128xf32>
    %swap3A_107 = arith.constant 8 : index
    %swap3A_108 = arith.constant 0 : index
    %swap3A_109 = arith.constant 0 : index
    %swap3A_110 = vector.load %arg6[%swap3A_107, %swap3A_108, %swap3A_109] : memref<40x64x128xf32, #tpu.memory_space<vmem>>, vector<1x64x128xf32>
    %swap3A_111 = vector.shape_cast %swap3A_110 : vector<1x64x128xf32> to vector<64x128xf32>
    %swap3A_112 = vector.shape_cast %transpose3A_106 : vector<64x128xf32> to vector<1x64x128xf32>
    tpu.vector_store %arg6[%swap3A_107, %swap3A_108, %swap3A_109], %swap3A_112 {strides = array<i32>} : memref<40x64x128xf32, #tpu.memory_space<vmem>>, vector<1x64x128xf32>,
    %slice3A_113 = vector.extract_strided_slice %add3A_34 {offsets = [0, 9, 0], sizes = [128, 1, 64], strides = [1, 1, 1]} : vector<128x40x64xf32> to vector<128x1x64xf32>
    %squeeze3A_114 = vector.shape_cast %slice3A_113 : vector<128x1x64xf32> to vector<128x64xf32>
    %transpose3A_115 = tpu.transpose %squeeze3A_114, [1, 0] : vector<128x64xf32> -> vector<64x128xf32>
    %swap3A_116 = arith.constant 9 : index
    %swap3A_117 = arith.constant 0 : index
    %swap3A_118 = arith.constant 0 : index
    %swap3A_119 = vector.load %arg6[%swap3A_116, %swap3A_117, %swap3A_118] : memref<40x64x128xf32, #tpu.memory_space<vmem>>, vector<1x64x128xf32>
    %swap3A_120 = vector.shape_cast %swap3A_119 : vector<1x64x128xf32> to vector<64x128xf32>
    %swap3A_121 = vector.shape_cast %transpose3A_115 : vector<64x128xf32> to vector<1x64x128xf32>
    tpu.vector_store %arg6[%swap3A_116, %swap3A_117, %swap3A_118], %swap3A_121 {strides = array<i32>} : memref<40x64x128xf32, #tpu.memory_space<vmem>>, vector<1x64x128xf32>,
    %slice3A_122 = vector.extract_strided_slice %add3A_34 {offsets = [0, 10, 0], sizes = [128, 1, 64], strides = [1, 1, 1]} : vector<128x40x64xf32> to vector<128x1x64xf32>
    %squeeze3A_123 = vector.shape_cast %slice3A_122 : vector<128x1x64xf32> to vector<128x64xf32>
    %transpose3A_124 = tpu.transpose %squeeze3A_123, [1, 0] : vector<128x64xf32> -> vector<64x128xf32>
    %swap3A_125 = arith.constant 10 : index
    %swap3A_126 = arith.constant 0 : index
    %swap3A_127 = arith.constant 0 : index
    %swap3A_128 = vector.load %arg6[%swap3A_125, %swap3A_126, %swap3A_127] : memref<40x64x128xf32, #tpu.memory_space<vmem>>, vector<1x64x128xf32>
    %swap3A_129 = vector.shape_cast %swap3A_128 : vector<1x64x128xf32> to vector<64x128xf32>
    %swap3A_130 = vector.shape_cast %transpose3A_124 : vector<64x128xf32> to vector<1x64x128xf32>
    tpu.vector_store %arg6[%swap3A_125, %swap3A_126, %swap3A_127], %swap3A_130 {strides = array<i32>} : memref<40x64x128xf32, #tpu.memory_space<vmem>>, vector<1x64x128xf32>,
    %slice3A_131 = vector.extract_strided_slice %add3A_34 {offsets = [0, 11, 0], sizes = [128, 1, 64], strides = [1, 1, 1]} : vector<128x40x64xf32> to vector<128x1x64xf32>
    %squeeze3A_132 = vector.shape_cast %slice3A_131 : vector<128x1x64xf32> to vector<128x64xf32>
    %transpose3A_133 = tpu.transpose %squeeze3A_132, [1, 0] : vector<128x64xf32> -> vector<64x128xf32>
    %swap3A_134 = arith.constant 11 : index
    %swap3A_135 = arith.constant 0 : index
    %swap3A_136 = arith.constant 0 : index
    %swap3A_137 = vector.load %arg6[%swap3A_134, %swap3A_135, %swap3A_136] : memref<40x64x128xf32, #tpu.memory_space<vmem>>, vector<1x64x128xf32>
    %swap3A_138 = vector.shape_cast %swap3A_137 : vector<1x64x128xf32> to vector<64x128xf32>
    %swap3A_139 = vector.shape_cast %transpose3A_133 : vector<64x128xf32> to vector<1x64x128xf32>
    tpu.vector_store %arg6[%swap3A_134, %swap3A_135, %swap3A_136], %swap3A_139 {strides = array<i32>} : memref<40x64x128xf32, #tpu.memory_space<vmem>>, vector<1x64x128xf32>,
    %slice3A_140 = vector.extract_strided_slice %add3A_34 {offsets = [0, 12, 0], sizes = [128, 1, 64], strides = [1, 1, 1]} : vector<128x40x64xf32> to vector<128x1x64xf32>
    %squeeze3A_141 = vector.shape_cast %slice3A_140 : vector<128x1x64xf32> to vector<128x64xf32>
    %transpose3A_142 = tpu.transpose %squeeze3A_141, [1, 0] : vector<128x64xf32> -> vector<64x128xf32>
    %swap3A_143 = arith.constant 12 : index
    %swap3A_144 = arith.constant 0 : index
    %swap3A_145 = arith.constant 0 : index
    %swap3A_146 = vector.load %arg6[%swap3A_143, %swap3A_144, %swap3A_145] : memref<40x64x128xf32, #tpu.memory_space<vmem>>, vector<1x64x128xf32>
    %swap3A_147 = vector.shape_cast %swap3A_146 : vector<1x64x128xf32> to vector<64x128xf32>
    %swap3A_148 = vector.shape_cast %transpose3A_142 : vector<64x128xf32> to vector<1x64x128xf32>
    tpu.vector_store %arg6[%swap3A_143, %swap3A_144, %swap3A_145], %swap3A_148 {strides = array<i32>} : memref<40x64x128xf32, #tpu.memory_space<vmem>>, vector<1x64x128xf32>,
    %slice3A_149 = vector.extract_strided_slice %add3A_34 {offsets = [0, 13, 0], sizes = [128, 1, 64], strides = [1, 1, 1]} : vector<128x40x64xf32> to vector<128x1x64xf32>
    %squeeze3A_150 = vector.shape_cast %slice3A_149 : vector<128x1x64xf32> to vector<128x64xf32>
    %transpose3A_151 = tpu.transpose %squeeze3A_150, [1, 0] : vector<128x64xf32> -> vector<64x128xf32>
    %swap3A_152 = arith.constant 13 : index
    %swap3A_153 = arith.constant 0 : index
    %swap3A_154 = arith.constant 0 : index
    %swap3A_155 = vector.load %arg6[%swap3A_152, %swap3A_153, %swap3A_154] : memref<40x64x128xf32, #tpu.memory_space<vmem>>, vector<1x64x128xf32>
    %swap3A_156 = vector.shape_cast %swap3A_155 : vector<1x64x128xf32> to vector<64x128xf32>
    %swap3A_157 = vector.shape_cast %transpose3A_151 : vector<64x128xf32> to vector<1x64x128xf32>
    tpu.vector_store %arg6[%swap3A_152, %swap3A_153, %swap3A_154], %swap3A_157 {strides = array<i32>} : memref<40x64x128xf32, #tpu.memory_space<vmem>>, vector<1x64x128xf32>,
    %slice3A_158 = vector.extract_strided_slice %add3A_34 {offsets = [0, 14, 0], sizes = [128, 1, 64], strides = [1, 1, 1]} : vector<128x40x64xf32> to vector<128x1x64xf32>
    %squeeze3A_159 = vector.shape_cast %slice3A_158 : vector<128x1x64xf32> to vector<128x64xf32>
    %transpose3A_160 = tpu.transpose %squeeze3A_159, [1, 0] : vector<128x64xf32> -> vector<64x128xf32>
    %swap3A_161 = arith.constant 14 : index
    %swap3A_162 = arith.constant 0 : index
    %swap3A_163 = arith.constant 0 : index
    %swap3A_164 = vector.load %arg6[%swap3A_161, %swap3A_162, %swap3A_163] : memref<40x64x128xf32, #tpu.memory_space<vmem>>, vector<1x64x128xf32>
    %swap3A_165 = vector.shape_cast %swap3A_164 : vector<1x64x128xf32> to vector<64x128xf32>
    %swap3A_166 = vector.shape_cast %transpose3A_160 : vector<64x128xf32> to vector<1x64x128xf32>
    tpu.vector_store %arg6[%swap3A_161, %swap3A_162, %swap3A_163], %swap3A_166 {strides = array<i32>} : memref<40x64x128xf32, #tpu.memory_space<vmem>>, vector<1x64x128xf32>,
    %slice3A_167 = vector.extract_strided_slice %add3A_34 {offsets = [0, 15, 0], sizes = [128, 1, 64], strides = [1, 1, 1]} : vector<128x40x64xf32> to vector<128x1x64xf32>
    %squeeze3A_168 = vector.shape_cast %slice3A_167 : vector<128x1x64xf32> to vector<128x64xf32>
    %transpose3A_169 = tpu.transpose %squeeze3A_168, [1, 0] : vector<128x64xf32> -> vector<64x128xf32>
    %swap3A_170 = arith.constant 15 : index
    %swap3A_171 = arith.constant 0 : index
    %swap3A_172 = arith.constant 0 : index
    %swap3A_173 = vector.load %arg6[%swap3A_170, %swap3A_171, %swap3A_172] : memref<40x64x128xf32, #tpu.memory_space<vmem>>, vector<1x64x128xf32>
    %swap3A_174 = vector.shape_cast %swap3A_173 : vector<1x64x128xf32> to vector<64x128xf32>
    %swap3A_175 = vector.shape_cast %transpose3A_169 : vector<64x128xf32> to vector<1x64x128xf32>
    tpu.vector_store %arg6[%swap3A_170, %swap3A_171, %swap3A_172], %swap3A_175 {strides = array<i32>} : memref<40x64x128xf32, #tpu.memory_space<vmem>>, vector<1x64x128xf32>,
    %slice3A_176 = vector.extract_strided_slice %add3A_34 {offsets = [0, 16, 0], sizes = [128, 1, 64], strides = [1, 1, 1]} : vector<128x40x64xf32> to vector<128x1x64xf32>
    %squeeze3A_177 = vector.shape_cast %slice3A_176 : vector<128x1x64xf32> to vector<128x64xf32>
    %transpose3A_178 = tpu.transpose %squeeze3A_177, [1, 0] : vector<128x64xf32> -> vector<64x128xf32>
    %swap3A_179 = arith.constant 16 : index
    %swap3A_180 = arith.constant 0 : index
    %swap3A_181 = arith.constant 0 : index
    %swap3A_182 = vector.load %arg6[%swap3A_179, %swap3A_180, %swap3A_181] : memref<40x64x128xf32, #tpu.memory_space<vmem>>, vector<1x64x128xf32>
    %swap3A_183 = vector.shape_cast %swap3A_182 : vector<1x64x128xf32> to vector<64x128xf32>
    %swap3A_184 = vector.shape_cast %transpose3A_178 : vector<64x128xf32> to vector<1x64x128xf32>
    tpu.vector_store %arg6[%swap3A_179, %swap3A_180, %swap3A_181], %swap3A_184 {strides = array<i32>} : memref<40x64x128xf32, #tpu.memory_space<vmem>>, vector<1x64x128xf32>,
    %slice3A_185 = vector.extract_strided_slice %add3A_34 {offsets = [0, 17, 0], sizes = [128, 1, 64], strides = [1, 1, 1]} : vector<128x40x64xf32> to vector<128x1x64xf32>
    %squeeze3A_186 = vector.shape_cast %slice3A_185 : vector<128x1x64xf32> to vector<128x64xf32>
    %transpose3A_187 = tpu.transpose %squeeze3A_186, [1, 0] : vector<128x64xf32> -> vector<64x128xf32>
    %swap3A_188 = arith.constant 17 : index
    %swap3A_189 = arith.constant 0 : index
    %swap3A_190 = arith.constant 0 : index
    %swap3A_191 = vector.load %arg6[%swap3A_188, %swap3A_189, %swap3A_190] : memref<40x64x128xf32, #tpu.memory_space<vmem>>, vector<1x64x128xf32>
    %swap3A_192 = vector.shape_cast %swap3A_191 : vector<1x64x128xf32> to vector<64x128xf32>
    %swap3A_193 = vector.shape_cast %transpose3A_187 : vector<64x128xf32> to vector<1x64x128xf32>
    tpu.vector_store %arg6[%swap3A_188, %swap3A_189, %swap3A_190], %swap3A_193 {strides = array<i32>} : memref<40x64x128xf32, #tpu.memory_space<vmem>>, vector<1x64x128xf32>,
    %slice3A_194 = vector.extract_strided_slice %add3A_34 {offsets = [0, 18, 0], sizes = [128, 1, 64], strides = [1, 1, 1]} : vector<128x40x64xf32> to vector<128x1x64xf32>
    %squeeze3A_195 = vector.shape_cast %slice3A_194 : vector<128x1x64xf32> to vector<128x64xf32>
    %transpose3A_196 = tpu.transpose %squeeze3A_195, [1, 0] : vector<128x64xf32> -> vector<64x128xf32>
    %swap3A_197 = arith.constant 18 : index
    %swap3A_198 = arith.constant 0 : index
    %swap3A_199 = arith.constant 0 : index
    %swap3A_200 = vector.load %arg6[%swap3A_197, %swap3A_198, %swap3A_199] : memref<40x64x128xf32, #tpu.memory_space<vmem>>, vector<1x64x128xf32>
    %swap3A_201 = vector.shape_cast %swap3A_200 : vector<1x64x128xf32> to vector<64x128xf32>
    %swap3A_202 = vector.shape_cast %transpose3A_196 : vector<64x128xf32> to vector<1x64x128xf32>
    tpu.vector_store %arg6[%swap3A_197, %swap3A_198, %swap3A_199], %swap3A_202 {strides = array<i32>} : memref<40x64x128xf32, #tpu.memory_space<vmem>>, vector<1x64x128xf32>,
    %slice3A_203 = vector.extract_strided_slice %add3A_34 {offsets = [0, 19, 0], sizes = [128, 1, 64], strides = [1, 1, 1]} : vector<128x40x64xf32> to vector<128x1x64xf32>
    %squeeze3A_204 = vector.shape_cast %slice3A_203 : vector<128x1x64xf32> to vector<128x64xf32>
    %transpose3A_205 = tpu.transpose %squeeze3A_204, [1, 0] : vector<128x64xf32> -> vector<64x128xf32>
    %swap3A_206 = arith.constant 19 : index
    %swap3A_207 = arith.constant 0 : index
    %swap3A_208 = arith.constant 0 : index
    %swap3A_209 = vector.load %arg6[%swap3A_206, %swap3A_207, %swap3A_208] : memref<40x64x128xf32, #tpu.memory_space<vmem>>, vector<1x64x128xf32>
    %swap3A_210 = vector.shape_cast %swap3A_209 : vector<1x64x128xf32> to vector<64x128xf32>
    %swap3A_211 = vector.shape_cast %transpose3A_205 : vector<64x128xf32> to vector<1x64x128xf32>
    tpu.vector_store %arg6[%swap3A_206, %swap3A_207, %swap3A_208], %swap3A_211 {strides = array<i32>} : memref<40x64x128xf32, #tpu.memory_space<vmem>>, vector<1x64x128xf32>,
    %slice3A_212 = vector.extract_strided_slice %add3A_34 {offsets = [0, 20, 0], sizes = [128, 1, 64], strides = [1, 1, 1]} : vector<128x40x64xf32> to vector<128x1x64xf32>
    %squeeze3A_213 = vector.shape_cast %slice3A_212 : vector<128x1x64xf32> to vector<128x64xf32>
    %transpose3A_214 = tpu.transpose %squeeze3A_213, [1, 0] : vector<128x64xf32> -> vector<64x128xf32>
    %swap3A_215 = arith.constant 20 : index
    %swap3A_216 = arith.constant 0 : index
    %swap3A_217 = arith.constant 0 : index
    %swap3A_218 = vector.load %arg6[%swap3A_215, %swap3A_216, %swap3A_217] : memref<40x64x128xf32, #tpu.memory_space<vmem>>, vector<1x64x128xf32>
    %swap3A_219 = vector.shape_cast %swap3A_218 : vector<1x64x128xf32> to vector<64x128xf32>
    %swap3A_220 = vector.shape_cast %transpose3A_214 : vector<64x128xf32> to vector<1x64x128xf32>
    tpu.vector_store %arg6[%swap3A_215, %swap3A_216, %swap3A_217], %swap3A_220 {strides = array<i32>} : memref<40x64x128xf32, #tpu.memory_space<vmem>>, vector<1x64x128xf32>,
    %slice3A_221 = vector.extract_strided_slice %add3A_34 {offsets = [0, 21, 0], sizes = [128, 1, 64], strides = [1, 1, 1]} : vector<128x40x64xf32> to vector<128x1x64xf32>
    %squeeze3A_222 = vector.shape_cast %slice3A_221 : vector<128x1x64xf32> to vector<128x64xf32>
    %transpose3A_223 = tpu.transpose %squeeze3A_222, [1, 0] : vector<128x64xf32> -> vector<64x128xf32>
    %swap3A_224 = arith.constant 21 : index
    %swap3A_225 = arith.constant 0 : index
    %swap3A_226 = arith.constant 0 : index
    %swap3A_227 = vector.load %arg6[%swap3A_224, %swap3A_225, %swap3A_226] : memref<40x64x128xf32, #tpu.memory_space<vmem>>, vector<1x64x128xf32>
    %swap3A_228 = vector.shape_cast %swap3A_227 : vector<1x64x128xf32> to vector<64x128xf32>
    %swap3A_229 = vector.shape_cast %transpose3A_223 : vector<64x128xf32> to vector<1x64x128xf32>
    tpu.vector_store %arg6[%swap3A_224, %swap3A_225, %swap3A_226], %swap3A_229 {strides = array<i32>} : memref<40x64x128xf32, #tpu.memory_space<vmem>>, vector<1x64x128xf32>,
    %slice3A_230 = vector.extract_strided_slice %add3A_34 {offsets = [0, 22, 0], sizes = [128, 1, 64], strides = [1, 1, 1]} : vector<128x40x64xf32> to vector<128x1x64xf32>
    %squeeze3A_231 = vector.shape_cast %slice3A_230 : vector<128x1x64xf32> to vector<128x64xf32>
    %transpose3A_232 = tpu.transpose %squeeze3A_231, [1, 0] : vector<128x64xf32> -> vector<64x128xf32>
    %swap3A_233 = arith.constant 22 : index
    %swap3A_234 = arith.constant 0 : index
    %swap3A_235 = arith.constant 0 : index
    %swap3A_236 = vector.load %arg6[%swap3A_233, %swap3A_234, %swap3A_235] : memref<40x64x128xf32, #tpu.memory_space<vmem>>, vector<1x64x128xf32>
    %swap3A_237 = vector.shape_cast %swap3A_236 : vector<1x64x128xf32> to vector<64x128xf32>
    %swap3A_238 = vector.shape_cast %transpose3A_232 : vector<64x128xf32> to vector<1x64x128xf32>
    tpu.vector_store %arg6[%swap3A_233, %swap3A_234, %swap3A_235], %swap3A_238 {strides = array<i32>} : memref<40x64x128xf32, #tpu.memory_space<vmem>>, vector<1x64x128xf32>,
    %slice3A_239 = vector.extract_strided_slice %add3A_34 {offsets = [0, 23, 0], sizes = [128, 1, 64], strides = [1, 1, 1]} : vector<128x40x64xf32> to vector<128x1x64xf32>
    %squeeze3A_240 = vector.shape_cast %slice3A_239 : vector<128x1x64xf32> to vector<128x64xf32>
    %transpose3A_241 = tpu.transpose %squeeze3A_240, [1, 0] : vector<128x64xf32> -> vector<64x128xf32>
    %swap3A_242 = arith.constant 23 : index
    %swap3A_243 = arith.constant 0 : index
    %swap3A_244 = arith.constant 0 : index
    %swap3A_245 = vector.load %arg6[%swap3A_242, %swap3A_243, %swap3A_244] : memref<40x64x128xf32, #tpu.memory_space<vmem>>, vector<1x64x128xf32>
    %swap3A_246 = vector.shape_cast %swap3A_245 : vector<1x64x128xf32> to vector<64x128xf32>
    %swap3A_247 = vector.shape_cast %transpose3A_241 : vector<64x128xf32> to vector<1x64x128xf32>
    tpu.vector_store %arg6[%swap3A_242, %swap3A_243, %swap3A_244], %swap3A_247 {strides = array<i32>} : memref<40x64x128xf32, #tpu.memory_space<vmem>>, vector<1x64x128xf32>,
    %slice3A_248 = vector.extract_strided_slice %add3A_34 {offsets = [0, 24, 0], sizes = [128, 1, 64], strides = [1, 1, 1]} : vector<128x40x64xf32> to vector<128x1x64xf32>
    %squeeze3A_249 = vector.shape_cast %slice3A_248 : vector<128x1x64xf32> to vector<128x64xf32>
    %transpose3A_250 = tpu.transpose %squeeze3A_249, [1, 0] : vector<128x64xf32> -> vector<64x128xf32>
    %swap3A_251 = arith.constant 24 : index
    %swap3A_252 = arith.constant 0 : index
    %swap3A_253 = arith.constant 0 : index
    %swap3A_254 = vector.load %arg6[%swap3A_251, %swap3A_252, %swap3A_253] : memref<40x64x128xf32, #tpu.memory_space<vmem>>, vector<1x64x128xf32>
    %swap3A_255 = vector.shape_cast %swap3A_254 : vector<1x64x128xf32> to vector<64x128xf32>
    %swap3A_256 = vector.shape_cast %transpose3A_250 : vector<64x128xf32> to vector<1x64x128xf32>
    tpu.vector_store %arg6[%swap3A_251, %swap3A_252, %swap3A_253], %swap3A_256 {strides = array<i32>} : memref<40x64x128xf32, #tpu.memory_space<vmem>>, vector<1x64x128xf32>,
    %slice3A_257 = vector.extract_strided_slice %add3A_34 {offsets = [0, 25, 0], sizes = [128, 1, 64], strides = [1, 1, 1]} : vector<128x40x64xf32> to vector<128x1x64xf32>
    %squeeze3A_258 = vector.shape_cast %slice3A_257 : vector<128x1x64xf32> to vector<128x64xf32>
    %transpose3A_259 = tpu.transpose %squeeze3A_258, [1, 0] : vector<128x64xf32> -> vector<64x128xf32>
    %swap3A_260 = arith.constant 25 : index
    %swap3A_261 = arith.constant 0 : index
    %swap3A_262 = arith.constant 0 : index
    %swap3A_263 = vector.load %arg6[%swap3A_260, %swap3A_261, %swap3A_262] : memref<40x64x128xf32, #tpu.memory_space<vmem>>, vector<1x64x128xf32>
    %swap3A_264 = vector.shape_cast %swap3A_263 : vector<1x64x128xf32> to vector<64x128xf32>
    %swap3A_265 = vector.shape_cast %transpose3A_259 : vector<64x128xf32> to vector<1x64x128xf32>
    tpu.vector_store %arg6[%swap3A_260, %swap3A_261, %swap3A_262], %swap3A_265 {strides = array<i32>} : memref<40x64x128xf32, #tpu.memory_space<vmem>>, vector<1x64x128xf32>,
    %slice3A_266 = vector.extract_strided_slice %add3A_34 {offsets = [0, 26, 0], sizes = [128, 1, 64], strides = [1, 1, 1]} : vector<128x40x64xf32> to vector<128x1x64xf32>
    %squeeze3A_267 = vector.shape_cast %slice3A_266 : vector<128x1x64xf32> to vector<128x64xf32>
    %transpose3A_268 = tpu.transpose %squeeze3A_267, [1, 0] : vector<128x64xf32> -> vector<64x128xf32>
    %swap3A_269 = arith.constant 26 : index
    %swap3A_270 = arith.constant 0 : index
    %swap3A_271 = arith.constant 0 : index
    %swap3A_272 = vector.load %arg6[%swap3A_269, %swap3A_270, %swap3A_271] : memref<40x64x128xf32, #tpu.memory_space<vmem>>, vector<1x64x128xf32>
    %swap3A_273 = vector.shape_cast %swap3A_272 : vector<1x64x128xf32> to vector<64x128xf32>
    %swap3A_274 = vector.shape_cast %transpose3A_268 : vector<64x128xf32> to vector<1x64x128xf32>
    tpu.vector_store %arg6[%swap3A_269, %swap3A_270, %swap3A_271], %swap3A_274 {strides = array<i32>} : memref<40x64x128xf32, #tpu.memory_space<vmem>>, vector<1x64x128xf32>,
    %slice3A_275 = vector.extract_strided_slice %add3A_34 {offsets = [0, 27, 0], sizes = [128, 1, 64], strides = [1, 1, 1]} : vector<128x40x64xf32> to vector<128x1x64xf32>
    %squeeze3A_276 = vector.shape_cast %slice3A_275 : vector<128x1x64xf32> to vector<128x64xf32>
    %transpose3A_277 = tpu.transpose %squeeze3A_276, [1, 0] : vector<128x64xf32> -> vector<64x128xf32>
    %swap3A_278 = arith.constant 27 : index
    %swap3A_279 = arith.constant 0 : index
    %swap3A_280 = arith.constant 0 : index
    %swap3A_281 = vector.load %arg6[%swap3A_278, %swap3A_279, %swap3A_280] : memref<40x64x128xf32, #tpu.memory_space<vmem>>, vector<1x64x128xf32>
    %swap3A_282 = vector.shape_cast %swap3A_281 : vector<1x64x128xf32> to vector<64x128xf32>
    %swap3A_283 = vector.shape_cast %transpose3A_277 : vector<64x128xf32> to vector<1x64x128xf32>
    tpu.vector_store %arg6[%swap3A_278, %swap3A_279, %swap3A_280], %swap3A_283 {strides = array<i32>} : memref<40x64x128xf32, #tpu.memory_space<vmem>>, vector<1x64x128xf32>,
    %slice3A_284 = vector.extract_strided_slice %add3A_34 {offsets = [0, 28, 0], sizes = [128, 1, 64], strides = [1, 1, 1]} : vector<128x40x64xf32> to vector<128x1x64xf32>
    %squeeze3A_285 = vector.shape_cast %slice3A_284 : vector<128x1x64xf32> to vector<128x64xf32>
    %transpose3A_286 = tpu.transpose %squeeze3A_285, [1, 0] : vector<128x64xf32> -> vector<64x128xf32>
    %swap3A_287 = arith.constant 28 : index
    %swap3A_288 = arith.constant 0 : index
    %swap3A_289 = arith.constant 0 : index
    %swap3A_290 = vector.load %arg6[%swap3A_287, %swap3A_288, %swap3A_289] : memref<40x64x128xf32, #tpu.memory_space<vmem>>, vector<1x64x128xf32>
    %swap3A_291 = vector.shape_cast %swap3A_290 : vector<1x64x128xf32> to vector<64x128xf32>
    %swap3A_292 = vector.shape_cast %transpose3A_286 : vector<64x128xf32> to vector<1x64x128xf32>
    tpu.vector_store %arg6[%swap3A_287, %swap3A_288, %swap3A_289], %swap3A_292 {strides = array<i32>} : memref<40x64x128xf32, #tpu.memory_space<vmem>>, vector<1x64x128xf32>,
    %slice3A_293 = vector.extract_strided_slice %add3A_34 {offsets = [0, 29, 0], sizes = [128, 1, 64], strides = [1, 1, 1]} : vector<128x40x64xf32> to vector<128x1x64xf32>
    %squeeze3A_294 = vector.shape_cast %slice3A_293 : vector<128x1x64xf32> to vector<128x64xf32>
    %transpose3A_295 = tpu.transpose %squeeze3A_294, [1, 0] : vector<128x64xf32> -> vector<64x128xf32>
    %swap3A_296 = arith.constant 29 : index
    %swap3A_297 = arith.constant 0 : index
    %swap3A_298 = arith.constant 0 : index
    %swap3A_299 = vector.load %arg6[%swap3A_296, %swap3A_297, %swap3A_298] : memref<40x64x128xf32, #tpu.memory_space<vmem>>, vector<1x64x128xf32>
    %swap3A_300 = vector.shape_cast %swap3A_299 : vector<1x64x128xf32> to vector<64x128xf32>
    %swap3A_301 = vector.shape_cast %transpose3A_295 : vector<64x128xf32> to vector<1x64x128xf32>
    tpu.vector_store %arg6[%swap3A_296, %swap3A_297, %swap3A_298], %swap3A_301 {strides = array<i32>} : memref<40x64x128xf32, #tpu.memory_space<vmem>>, vector<1x64x128xf32>,
    %slice3A_302 = vector.extract_strided_slice %add3A_34 {offsets = [0, 30, 0], sizes = [128, 1, 64], strides = [1, 1, 1]} : vector<128x40x64xf32> to vector<128x1x64xf32>
    %squeeze3A_303 = vector.shape_cast %slice3A_302 : vector<128x1x64xf32> to vector<128x64xf32>
    %transpose3A_304 = tpu.transpose %squeeze3A_303, [1, 0] : vector<128x64xf32> -> vector<64x128xf32>
    %swap3A_305 = arith.constant 30 : index
    %swap3A_306 = arith.constant 0 : index
    %swap3A_307 = arith.constant 0 : index
    %swap3A_308 = vector.load %arg6[%swap3A_305, %swap3A_306, %swap3A_307] : memref<40x64x128xf32, #tpu.memory_space<vmem>>, vector<1x64x128xf32>
    %swap3A_309 = vector.shape_cast %swap3A_308 : vector<1x64x128xf32> to vector<64x128xf32>
    %swap3A_310 = vector.shape_cast %transpose3A_304 : vector<64x128xf32> to vector<1x64x128xf32>
    tpu.vector_store %arg6[%swap3A_305, %swap3A_306, %swap3A_307], %swap3A_310 {strides = array<i32>} : memref<40x64x128xf32, #tpu.memory_space<vmem>>, vector<1x64x128xf32>,
    %slice3A_311 = vector.extract_strided_slice %add3A_34 {offsets = [0, 31, 0], sizes = [128, 1, 64], strides = [1, 1, 1]} : vector<128x40x64xf32> to vector<128x1x64xf32>
    %squeeze3A_312 = vector.shape_cast %slice3A_311 : vector<128x1x64xf32> to vector<128x64xf32>
    %transpose3A_313 = tpu.transpose %squeeze3A_312, [1, 0] : vector<128x64xf32> -> vector<64x128xf32>
    %swap3A_314 = arith.constant 31 : index
    %swap3A_315 = arith.constant 0 : index
    %swap3A_316 = arith.constant 0 : index
    %swap3A_317 = vector.load %arg6[%swap3A_314, %swap3A_315, %swap3A_316] : memref<40x64x128xf32, #tpu.memory_space<vmem>>, vector<1x64x128xf32>
    %swap3A_318 = vector.shape_cast %swap3A_317 : vector<1x64x128xf32> to vector<64x128xf32>
    %swap3A_319 = vector.shape_cast %transpose3A_313 : vector<64x128xf32> to vector<1x64x128xf32>
    tpu.vector_store %arg6[%swap3A_314, %swap3A_315, %swap3A_316], %swap3A_319 {strides = array<i32>} : memref<40x64x128xf32, #tpu.memory_space<vmem>>, vector<1x64x128xf32>,
    %slice3A_320 = vector.extract_strided_slice %add3A_34 {offsets = [0, 32, 0], sizes = [128, 1, 64], strides = [1, 1, 1]} : vector<128x40x64xf32> to vector<128x1x64xf32>
    %squeeze3A_321 = vector.shape_cast %slice3A_320 : vector<128x1x64xf32> to vector<128x64xf32>
    %transpose3A_322 = tpu.transpose %squeeze3A_321, [1, 0] : vector<128x64xf32> -> vector<64x128xf32>
    %swap3A_323 = arith.constant 32 : index
    %swap3A_324 = arith.constant 0 : index
    %swap3A_325 = arith.constant 0 : index
    %swap3A_326 = vector.load %arg6[%swap3A_323, %swap3A_324, %swap3A_325] : memref<40x64x128xf32, #tpu.memory_space<vmem>>, vector<1x64x128xf32>
    %swap3A_327 = vector.shape_cast %swap3A_326 : vector<1x64x128xf32> to vector<64x128xf32>
    %swap3A_328 = vector.shape_cast %transpose3A_322 : vector<64x128xf32> to vector<1x64x128xf32>
    tpu.vector_store %arg6[%swap3A_323, %swap3A_324, %swap3A_325], %swap3A_328 {strides = array<i32>} : memref<40x64x128xf32, #tpu.memory_space<vmem>>, vector<1x64x128xf32>,
    %slice3A_329 = vector.extract_strided_slice %add3A_34 {offsets = [0, 33, 0], sizes = [128, 1, 64], strides = [1, 1, 1]} : vector<128x40x64xf32> to vector<128x1x64xf32>
    %squeeze3A_330 = vector.shape_cast %slice3A_329 : vector<128x1x64xf32> to vector<128x64xf32>
    %transpose3A_331 = tpu.transpose %squeeze3A_330, [1, 0] : vector<128x64xf32> -> vector<64x128xf32>
    %swap3A_332 = arith.constant 33 : index
    %swap3A_333 = arith.constant 0 : index
    %swap3A_334 = arith.constant 0 : index
    %swap3A_335 = vector.load %arg6[%swap3A_332, %swap3A_333, %swap3A_334] : memref<40x64x128xf32, #tpu.memory_space<vmem>>, vector<1x64x128xf32>
    %swap3A_336 = vector.shape_cast %swap3A_335 : vector<1x64x128xf32> to vector<64x128xf32>
    %swap3A_337 = vector.shape_cast %transpose3A_331 : vector<64x128xf32> to vector<1x64x128xf32>
    tpu.vector_store %arg6[%swap3A_332, %swap3A_333, %swap3A_334], %swap3A_337 {strides = array<i32>} : memref<40x64x128xf32, #tpu.memory_space<vmem>>, vector<1x64x128xf32>,
    %slice3A_338 = vector.extract_strided_slice %add3A_34 {offsets = [0, 34, 0], sizes = [128, 1, 64], strides = [1, 1, 1]} : vector<128x40x64xf32> to vector<128x1x64xf32>
    %squeeze3A_339 = vector.shape_cast %slice3A_338 : vector<128x1x64xf32> to vector<128x64xf32>
    %transpose3A_340 = tpu.transpose %squeeze3A_339, [1, 0] : vector<128x64xf32> -> vector<64x128xf32>
    %swap3A_341 = arith.constant 34 : index
    %swap3A_342 = arith.constant 0 : index
    %swap3A_343 = arith.constant 0 : index
    %swap3A_344 = vector.load %arg6[%swap3A_341, %swap3A_342, %swap3A_343] : memref<40x64x128xf32, #tpu.memory_space<vmem>>, vector<1x64x128xf32>
    %swap3A_345 = vector.shape_cast %swap3A_344 : vector<1x64x128xf32> to vector<64x128xf32>
    %swap3A_346 = vector.shape_cast %transpose3A_340 : vector<64x128xf32> to vector<1x64x128xf32>
    tpu.vector_store %arg6[%swap3A_341, %swap3A_342, %swap3A_343], %swap3A_346 {strides = array<i32>} : memref<40x64x128xf32, #tpu.memory_space<vmem>>, vector<1x64x128xf32>,
    %slice3A_347 = vector.extract_strided_slice %add3A_34 {offsets = [0, 35, 0], sizes = [128, 1, 64], strides = [1, 1, 1]} : vector<128x40x64xf32> to vector<128x1x64xf32>
    %squeeze3A_348 = vector.shape_cast %slice3A_347 : vector<128x1x64xf32> to vector<128x64xf32>
    %transpose3A_349 = tpu.transpose %squeeze3A_348, [1, 0] : vector<128x64xf32> -> vector<64x128xf32>
    %swap3A_350 = arith.constant 35 : index
    %swap3A_351 = arith.constant 0 : index
    %swap3A_352 = arith.constant 0 : index
    %swap3A_353 = vector.load %arg6[%swap3A_350, %swap3A_351, %swap3A_352] : memref<40x64x128xf32, #tpu.memory_space<vmem>>, vector<1x64x128xf32>
    %swap3A_354 = vector.shape_cast %swap3A_353 : vector<1x64x128xf32> to vector<64x128xf32>
    %swap3A_355 = vector.shape_cast %transpose3A_349 : vector<64x128xf32> to vector<1x64x128xf32>
    tpu.vector_store %arg6[%swap3A_350, %swap3A_351, %swap3A_352], %swap3A_355 {strides = array<i32>} : memref<40x64x128xf32, #tpu.memory_space<vmem>>, vector<1x64x128xf32>,
    %slice3A_356 = vector.extract_strided_slice %add3A_34 {offsets = [0, 36, 0], sizes = [128, 1, 64], strides = [1, 1, 1]} : vector<128x40x64xf32> to vector<128x1x64xf32>
    %squeeze3A_357 = vector.shape_cast %slice3A_356 : vector<128x1x64xf32> to vector<128x64xf32>
    %transpose3A_358 = tpu.transpose %squeeze3A_357, [1, 0] : vector<128x64xf32> -> vector<64x128xf32>
    %swap3A_359 = arith.constant 36 : index
    %swap3A_360 = arith.constant 0 : index
    %swap3A_361 = arith.constant 0 : index
    %swap3A_362 = vector.load %arg6[%swap3A_359, %swap3A_360, %swap3A_361] : memref<40x64x128xf32, #tpu.memory_space<vmem>>, vector<1x64x128xf32>
    %swap3A_363 = vector.shape_cast %swap3A_362 : vector<1x64x128xf32> to vector<64x128xf32>
    %swap3A_364 = vector.shape_cast %transpose3A_358 : vector<64x128xf32> to vector<1x64x128xf32>
    tpu.vector_store %arg6[%swap3A_359, %swap3A_360, %swap3A_361], %swap3A_364 {strides = array<i32>} : memref<40x64x128xf32, #tpu.memory_space<vmem>>, vector<1x64x128xf32>,
    %slice3A_365 = vector.extract_strided_slice %add3A_34 {offsets = [0, 37, 0], sizes = [128, 1, 64], strides = [1, 1, 1]} : vector<128x40x64xf32> to vector<128x1x64xf32>
    %squeeze3A_366 = vector.shape_cast %slice3A_365 : vector<128x1x64xf32> to vector<128x64xf32>
    %transpose3A_367 = tpu.transpose %squeeze3A_366, [1, 0] : vector<128x64xf32> -> vector<64x128xf32>
    %swap3A_368 = arith.constant 37 : index
    %swap3A_369 = arith.constant 0 : index
    %swap3A_370 = arith.constant 0 : index
    %swap3A_371 = vector.load %arg6[%swap3A_368, %swap3A_369, %swap3A_370] : memref<40x64x128xf32, #tpu.memory_space<vmem>>, vector<1x64x128xf32>
    %swap3A_372 = vector.shape_cast %swap3A_371 : vector<1x64x128xf32> to vector<64x128xf32>
    %swap3A_373 = vector.shape_cast %transpose3A_367 : vector<64x128xf32> to vector<1x64x128xf32>
    tpu.vector_store %arg6[%swap3A_368, %swap3A_369, %swap3A_370], %swap3A_373 {strides = array<i32>} : memref<40x64x128xf32, #tpu.memory_space<vmem>>, vector<1x64x128xf32>,
    %slice3A_374 = vector.extract_strided_slice %add3A_34 {offsets = [0, 38, 0], sizes = [128, 1, 64], strides = [1, 1, 1]} : vector<128x40x64xf32> to vector<128x1x64xf32>
    %squeeze3A_375 = vector.shape_cast %slice3A_374 : vector<128x1x64xf32> to vector<128x64xf32>
    %transpose3A_376 = tpu.transpose %squeeze3A_375, [1, 0] : vector<128x64xf32> -> vector<64x128xf32>
    %swap3A_377 = arith.constant 38 : index
    %swap3A_378 = arith.constant 0 : index
    %swap3A_379 = arith.constant 0 : index
    %swap3A_380 = vector.load %arg6[%swap3A_377, %swap3A_378, %swap3A_379] : memref<40x64x128xf32, #tpu.memory_space<vmem>>, vector<1x64x128xf32>
    %swap3A_381 = vector.shape_cast %swap3A_380 : vector<1x64x128xf32> to vector<64x128xf32>
    %swap3A_382 = vector.shape_cast %transpose3A_376 : vector<64x128xf32> to vector<1x64x128xf32>
    tpu.vector_store %arg6[%swap3A_377, %swap3A_378, %swap3A_379], %swap3A_382 {strides = array<i32>} : memref<40x64x128xf32, #tpu.memory_space<vmem>>, vector<1x64x128xf32>,
    %slice3A_383 = vector.extract_strided_slice %add3A_34 {offsets = [0, 39, 0], sizes = [128, 1, 64], strides = [1, 1, 1]} : vector<128x40x64xf32> to vector<128x1x64xf32>
    %squeeze3A_384 = vector.shape_cast %slice3A_383 : vector<128x1x64xf32> to vector<128x64xf32>
    %transpose3A_385 = tpu.transpose %squeeze3A_384, [1, 0] : vector<128x64xf32> -> vector<64x128xf32>
    %swap3A_386 = arith.constant 39 : index
    %swap3A_387 = arith.constant 0 : index
    %swap3A_388 = arith.constant 0 : index
    %swap3A_389 = vector.load %arg6[%swap3A_386, %swap3A_387, %swap3A_388] : memref<40x64x128xf32, #tpu.memory_space<vmem>>, vector<1x64x128xf32>
    %swap3A_390 = vector.shape_cast %swap3A_389 : vector<1x64x128xf32> to vector<64x128xf32>
    %swap3A_391 = vector.shape_cast %transpose3A_385 : vector<64x128xf32> to vector<1x64x128xf32>
    tpu.vector_store %arg6[%swap3A_386, %swap3A_387, %swap3A_388], %swap3A_391 {strides = array<i32>} : memref<40x64x128xf32, #tpu.memory_space<vmem>>, vector<1x64x128xf32>,
    return
  }
  func.func @transform_0(%arg0: i32, %arg1: i32) -> (i32, i32, i32) {
    %c0_i32 = arith.constant 0 : i32
    %c0_i32_0 = arith.constant 0 : i32
    return %arg0, %arg1, %c0_i32 : i32, i32, i32
  }
  func.func @transform_1(%arg0: i32, %arg1: i32) -> (i32, i32, i32) {
    %c0_i32 = arith.constant 0 : i32
    %c0_i32_0 = arith.constant 0 : i32
    %c0_i32_1 = arith.constant 0 : i32
    return %c0_i32, %arg1, %c0_i32_0 : i32, i32, i32
  }
  func.func @transform_2(%arg0: i32, %arg1: i32) -> (i32, i32, i32) {
    %c0_i32 = arith.constant 0 : i32
    %c0_i32_0 = arith.constant 0 : i32
    %c0_i32_1 = arith.constant 0 : i32
    %c0_i32_2 = arith.constant 0 : i32
    return %c0_i32, %c0_i32_0, %c0_i32_1 : i32, i32, i32
  }
  func.func @transform_3(%arg0: i32, %arg1: i32) -> (i32, i32, i32) {
    %c0_i32 = arith.constant 0 : i32
    %c0_i32_0 = arith.constant 0 : i32
    %c0_i32_1 = arith.constant 0 : i32
    %c0_i32_2 = arith.constant 0 : i32
    return %c0_i32, %c0_i32_0, %c0_i32_1 : i32, i32, i32
  }
  func.func @transform_4(%arg0: i32, %arg1: i32) -> (i32, i32, i32) {
    %c0_i32 = arith.constant 0 : i32
    %c0_i32_0 = arith.constant 0 : i32
    return %arg1, %c0_i32, %arg0 : i32, i32, i32
  }
}

</mosaic_0001>

<sc_bundles>
// kernel: kernel.4.cloned.1.call-start
scs
__scs_entry_jumppad:
0x0: {  	(pc) =	sbr.rel $0x88, $3  }
0x1: {  	(tag) =	ssettag $0x0;
	lr =	simm.s32 $0x1  }
0x2: {  	[smem:$0x3F9C] =	sst lr;
	_ =	strace $0xD0000000  }
0x3: {  	_ = 	snop  }
0x4: {  	_ = 	snop  }
0x5: {  	_ = 	snop  }
0x6: {  	_ = 	snop  }
0x7: {  	_ = 	snop  }
__scs_overlays_trampoline_lowered:
0x8: {  	[smem:$0x3FAB] =	sst s0  }
0x9: {  	[smem:$0x3FAC] =	sst s1  }
0xa: {  	[smem:$0x3FAD] =	sst s2  }
0xb: {  	[smem:$0x3FAE] =	sst s3  }
0xc: {  	[smem:$0x3FAF] =	sst s4  }
0xd: {  	[smem:$0x3FB0] =	sst s5  }
0xe: {  	[smem:$0x3FB1] =	sst s6  }
0xf: {  	[smem:$0x3FB2] =	sst s7  }
0x10: {  	[smem:$0x3FB3] =	sst s8  }
0x11: {  	[smem:$0x3FB4] =	sst s9;
	s0 =	simm.s32 @!p0 $0x0  }
0x12: {  	s1 =	sld [smem:$0x3F9A];
	s0 =	simm.s32 @p0 $0x1  }
0x13: {  	[smem:$0x3FB5] =	sst s0;
	s0 =	simm.s32 @!p1 $0x0  }
0x14: {  	s2 =	sld [smem:$0x3F99];
	s0 =	simm.s32 @p1 $0x1  }
0x15: {  	[smem:$0x3FB6] =	sst s0;
	s0 =	simm.s32 @!p2 $0x0  }
0x16: {  	s3 =	sld [smem:$0x3FDB];
	s0 =	simm.s32 @p2 $0x1  }
0x17: {  	s4 =	simm.s32 $0x1BF5;
	[smem:$0x3FB8] =	sst s0  }
0x18: {  	s0 =	sld [smem:$0x3F9B];
	_ =	swait.ge [sflag:s4], $0x0  }
0x19: {  	s7 =	sld [smem:$0x3F9C]  }
0x1a: {  	s8 =	sadd.s32 $0xFFFFE003, lr  }
0x1b: {  	s9 =	sadd.s32 $0xFFFFFEF7, lr;
	s5 =	simm.s32 $0xFFFFFFFF;
	p2 =	slt.u32 s8, $0xFFFFF086  }
0x1c: {  	p1 =	slt.u32 s9, $0xF7A;
	s5 =	simm.s32 @!p2 $0x0  }
0x1d: {  	s5 =	simm.s32 @p1 $0x1;
	p0 =	seq.s32 s7, s2  }
0x1e: {  	s7 =	smul.u32 @!p0 $0xF7A, s2;
	p2 =	seq.s32 @!p0 s5, $0x0  }
0x1f: {  	s9 =	smul.u32 $0xF7A, s1;
	s8 =	simm.s32 @!p0 $0x1BF5;
	p2 =	por !p2, p0  }
0x20: {  	[sflag:s8] =	ssyncset.s32 @!p0 $0xFFFFF086;
	s6 =	sadd.s32 @!p0 s3, s7;
	s7 =	simm.s32 @!p0 $0x108  }
0x21: {  	s3 =	sadd.s32 s3, s9;
	s6 =	sadd.s32 @!p0 $0x88, s6;
	s7 =	simm.s32 @p2 $0x1082  }
0x22: {  	[simem:s7], [sflag:s8] =	dma.local @!p0 [hbm:s6], $0xF7A  }
0x23: {  	s9 =	sor.u32 $0xD0000000, s2;
	s6 =	simm.s32 $0x108;
	_ =	swait.ge @!p0 [sflag:s8], $0x0  }
0x24: {  	s3 =	sadd.s32 $0x88, s3;
	s6 =	simm.s32 @!p1 $0x1082;
	[sflag:s4] =	ssyncset.s32 $0xFFFFF086  }
0x25: {  	[simem:s6], [sflag:s4] =	dma.local [hbm:s3], $0xF7A  }
0x26: {  	[smem:$0x3F9C] =	sst s1;
	(tag) =	ssettag s2;
	_ =	strace s9  }
0x27: {  	s1 =	sld [smem:$0x3FAC]  }
0x28: {  	s2 =	sld [smem:$0x3FAD]  }
0x29: {  	s4 =	sld [smem:$0x3FAF]  }
0x2a: {  	p0 =	seq.s32 s5, $0x0;
	s5 =	sld [smem:$0x3FB0]  }
0x2b: {  	s6 =	sld [smem:$0x3FB1]  }
0x2c: {  	s7 =	sld [smem:$0x3FB2]  }
0x2d: {  	s3 =	simm.s32 $0x108;
	s8 =	sld [smem:$0x3FB3]  }
0x2e: {  	s3 =	simm.s32 @!p0 $0x1082;
	s9 =	sld [smem:$0x3FB4]  }
0x2f: {  	lr =	sadd.s32 s0, s3;
	s0 =	sld [smem:$0x3FAB]  }
0x30: {  	s3 =	sld [smem:$0x3FAE]  }
0x31: {  	[smem:$0x3FB7] =	sst s10  }
0x32: {  	s10 =	sld [smem:$0x3FB5];
	_ =	sdelay $0x3  }
0x33: {  	p0 =	seq.s32 s10, $0x1;
	s10 =	sld [smem:$0x3FB7];
	_ =	sdelay $0x3  }
0x34: {  	[smem:$0x3FB7] =	sst s10  }
0x35: {  	s10 =	sld [smem:$0x3FB6];
	_ =	sdelay $0x3  }
0x36: {  	p1 =	seq.s32 s10, $0x1;
	s10 =	sld [smem:$0x3FB7];
	_ =	sdelay $0x3  }
0x37: {  	[smem:$0x3FB7] =	sst s10  }
0x38: {  	s10 =	sld [smem:$0x3FB8]  }
0x39: {  	_ = 	snop;
	(pc) =	sbr.ind lr, $3  }
0x3a: {  	_ = 	snop  }
0x3b: {  	_ = 	snop  }
0x3c: {  	p2 =	seq.s32 s10, $0x1;
	s10 =	sld [smem:$0x3FB7]  }
0x3d: {  	_ =	shalt  }
0x3e: {  	_ =	shalt  }
0x3f: {  	_ =	shalt  }
0x40: {  	_ =	shalt  }
0x41: {  	_ =	shalt  }
0x42: {  	_ =	shalt  }
0x43: {  	_ =	shalt  }
0x44: {  	_ =	shalt  }
0x45: {  	_ =	shalt  }
0x46: {  	_ =	shalt  }
0x47: {  	_ =	shalt  }
0x48: {  	_ =	shalt  }
0x49: {  	_ =	shalt  }
0x4a: {  	_ =	shalt  }
0x4b: {  	_ =	shalt  }
0x4c: {  	_ =	shalt  }
0x4d: {  	_ =	shalt  }
0x4e: {  	_ =	shalt  }
0x4f: {  	_ =	shalt  }
0x50: {  	_ =	shalt  }
0x51: {  	_ =	shalt  }
0x52: {  	_ =	shalt  }
0x53: {  	_ =	shalt  }
0x54: {  	_ =	shalt  }
0x55: {  	_ =	shalt  }
0x56: {  	_ =	shalt  }
0x57: {  	_ =	shalt  }
0x58: {  	_ =	shalt  }
0x59: {  	_ =	shalt  }
0x5a: {  	_ =	shalt  }
0x5b: {  	_ =	shalt  }
0x5c: {  	_ =	shalt  }
0x5d: {  	_ =	shalt  }
0x5e: {  	_ =	shalt  }
0x5f: {  	_ =	shalt  }
0x60: {  	_ =	shalt  }
0x61: {  	_ =	shalt  }
0x62: {  	_ =	shalt  }
0x63: {  	_ =	shalt  }
0x64: {  	_ =	shalt  }
0x65: {  	_ =	shalt  }
0x66: {  	_ =	shalt  }
0x67: {  	_ =	shalt  }
0x68: {  	_ =	shalt  }
0x69: {  	_ =	shalt  }
0x6a: {  	_ =	shalt  }
0x6b: {  	_ =	shalt  }
0x6c: {  	_ =	shalt  }
0x6d: {  	_ =	shalt  }
0x6e: {  	_ =	shalt  }
0x6f: {  	_ =	shalt  }
0x70: {  	_ =	shalt  }
0x71: {  	_ =	shalt  }
0x72: {  	_ =	shalt  }
0x73: {  	_ =	shalt  }
0x74: {  	_ =	shalt  }
0x75: {  	_ =	shalt  }
0x76: {  	_ =	shalt  }
0x77: {  	_ =	shalt  }
0x78: {  	_ =	shalt  }
0x79: {  	_ =	shalt  }
0x7a: {  	_ =	shalt  }
0x7b: {  	_ =	shalt  }
0x7c: {  	_ =	shalt  }
0x7d: {  	_ =	shalt  }
0x7e: {  	_ =	shalt  }
0x7f: {  	_ =	shalt  }
0x80: {  	_ =	shalt  }
0x81: {  	_ =	shalt  }
0x82: {  	_ =	shalt  }
0x83: {  	_ =	shalt  }
0x84: {  	_ =	shalt  }
0x85: {  	_ =	shalt  }
0x86: {  	_ =	shalt  }
0x87: {  	_ =	shalt  }
.Lfunc_end0:
.L_simem_size_0:
called_computation_lowered:
.L_overlay_start_0:
0x88: {  	s2 =	sld [smem:$0x3FD9]  }
0x89: {  	s3 =	sld [smem:$0x3FFE];
	_ =	sdelay $0x1  }
0x8a: {  	s1 =	srdreg.scid  }
0x8b: {  	s0 =	sand.u32 $0x1, s1  }
0x8c: {  	s17 =	sshll.u32 s0, $0xA;
	s2 =	sadd.s32 s3, s2  }
0x8d: {  	s2 =	sadd.s32 s2, s17  }
0x8e: {  	[smem:$0x3FC3] =	sst s2  }
0x8f: {  	_ = 	snop  }
0x90: {  	s2 =	sld [smem:$0x3FD0];
	(tm) =	ssettm $0x1  }
0x91: {  	s18 =	sld [smem:$0x3FFB];
	_ =	sdelay $0x3  }
0x92: {  	_ =	strace s18  }
0x93: {  	s3 =	sld [smem:$0x3FFC];
	_ =	sdelay $0x3  }
0x94: {  	_ =	strace s3  }
0x95: {  	s3 =	sld [smem:$0x3FFD];
	_ =	sdelay $0x3  }
0x96: {  	_ =	strace s3  }
0x97: {  	_ =	strace $0x8FFFFFFF  }
0x98: {  	s19 =	sld [smem:$0x3FDB];
	_ =	sdelay $0x1  }
0x99: {  	s4 =	simm.s32 $_scs_section_size  }
0x9a: {  	s5 =	simm.s32 $_size__tile_overlayer_lowered;
	s6 =	simm.s32 $_tile_overlayer_lowered  }
0x9b: {  	s22 =	simm.s32 $0x1BFF;
	s21 =	sshll.u32 s6, $0x1;
	s3 =	sadd.s32 s4, s19  }
0x9c: {  	s7 =	simm.s32 $0x0;
	s20 =	sshll.u32 s5, $0x1;
	s5 =	sadd.s32 s21, s3  }
0x9d: {  	[timem:s7], [sflag:s22] =	dma.local [hbm:s5], s20  }
0x9e: {  	_ =	swait.ge [sflag:s22], s20  }
0x9f: {  	s4 =	ssub.s32 $0x0, s20;
	[sflag:s22] =	ssyncset.done $0x0  }
0xa0: {  	[sflag:s22] =	ssyncadd.s32 s4;
	_ =	sdelay $0x1  }
0xa1: {  	s23 =	simm.s32 $0x1B8B  }
0xa2: {  	_ =	swait.ge [sflag:s23], $0x1  }
0xa3: {  	[sflag:s23] =	ssyncset.done $0x0  }
0xa4: {  	s25 =	simm.s32 $0x1B8E;
	s24 =	sld [smem:$0x3FFE];
	[sflag:s23] =	ssyncadd.s32 $0xFFFFFFFF  }
0xa5: {  	s26 =	simm.s32 $execute0_lowered;
	[smem:$0x3FD2] =	sst s25  }
0xa6: {  	s5 =	sshll.u32 s26, $0x1;
	_ =	strace $0x80000046;
	[dreg:$0x1] =	wrdreg $0xFFFFFFFF  }
0xa7: {  	s28 =	simm.s32 $_size_execute0_lowered;
	s3 =	sadd.s32 s3, s5;
	[dreg:$0x0] =	wrdreg $0x0  }
0xa8: {  	s5 =	sshll.u32 s28, $0x1;
	[dreg:$0x2] =	wrdreg s3  }
0xa9: {  	[dreg:$0x3] =	wrdreg s5  }
0xaa: {  	[dreg:$0x4] =	wrdreg $0xC0  }
0xab: {  	_ =	task [dreg:s7], $0x5FFFF  }
0xac: {  	[dreg:$0x1] =	wrdreg $0xFFFFFFFF  }
0xad: {  	[dreg:$0x0] =	wrdreg $0x60  }
0xae: {  	[dreg:$0x2] =	wrdreg s2  }
0xaf: {  	[dreg:$0x3] =	wrdreg s24  }
0xb0: {  	[dreg:$0x4] =	wrdreg $0x9  }
0xb1: {  	_ =	task.clear_ibuf [dreg:s7], $0x5FFFF;
	_ =	strace $0x90000046  }
0xb2: {  	s29 =	simm.s32 $0x9;
	_ =	strace $0x80000048  }
0xb3: {  	_ =	swait.ge [sflag:s29], $0x1  }
0xb4: {  	[sflag:s29] =	ssyncadd.s32 $0xFFFFFFFF  }
0xb5: {  	_ =	strace $0x90000048  }
0xb6: {  	_ =	sfence  }
0xb7: {  	s30 =	sld [smem:$0x0];
	_ =	sdelay $0x2  }
0xb8: {  	s31 =	sshll.u32 s1, $0xD;
	s1 =	sshrl.u32 s1, $0x2  }
0xb9: {  	s3 =	sand.u32 $0x4000, s31;
	s1 =	sadd.s32 s1, s30  }
0xba: {  	s0 =	sor.u32 s3, s0;
	s1 =	sshll.u32 s1, $0x11  }
0xbb: {  	s0 =	sor.u32 s1, s0  }
0xbc: {  	s0 =	sadd.s32 $0x8F2B, s0  }
0xbd: {  	[sflag:s0] =	ssyncadd.remote.s32 $0x1  }
0xbe: {  	_ =	sfence.sel $0xFFFF  }
0xbf: {  	[dreg:$0x0] =	wrdreg $0xFFFFFFFF;
	(pc) =	sbr.abs _section_cstart, $3  }
0xc0: {  	[dreg:$0x1] =	wrdreg $0xFFFFFFFF  }
0xc1: {  	_ =	task.clear_ibuf [dreg:s7], $0x2FFFF;
	_ =	strace $0x9FFFFFFF  }
0xc2: {  	(tm) =	ssettm $0x7FFFFFFF  }
0xc3: {  	_ =	shalt  }
tec
execute0_lowered:
.L_overlay_start_1:
0x0: {  	(tag) =	ssettag $0x1  }
0x1: {  	s1 =	rddreg [dreg:$0x0]  }
0x2: {  	s5 =	rddreg [dreg:$0x1]  }
0x3: {  	s0 =	rddreg [dreg:$0x2];
	s3 =	simm.s32 $0x0;
	s2 =	stileid.u32  }
0x4: {  	s7 =	srdreg.scid;
	s11 =	simm.s32 $0x48;
	s12 =	simm.s32 $0x5900  }
0x5: {  	s13 =	simm.s32 $0x7D00;
	s14 =	simm.s32 $0xBD00;
	s15 =	simm.s32 $0xE100  }
0x6: {  	s16 =	simm.s32 $0x12100;
	s17 =	simm.s32 $0x14500;
	s18 =	simm.s32 $0x18500  }
0x7: {  	s19 =	simm.s32 $0x1;
	s20 =	simm.s32 $0x0;
	[smem:$0x7FF] =	sst s3  }
0x8: {  	s6 =	smul.u32 $0xC8000, s2;
	s4 =	sadd.s32 $0xF43000, s5;
	s7 =	sand.u32 $0x1, s7  }
0x9: {  	s10 =	sshll.u32 s2, $0x8;
	_ =	strace $0x80000047;
	s30 =	ssub.s32 $0x2, s7  }
0xa: {  	s8 =	smul.u32 $0x64000, s7;
	s7 =	sshll.u32 s7, $0x7;
	s6 =	sadd.s32 s6, s5  }
0xb: {  	s9 =	sshrl.u32 s30, $0x1;
	s5 =	sor.u32 s7, s10;
	s10 =	simm.s32 $0x1900  }
0xc: {  	s9 =	ssub.s32 s30, s9;
	s31 =	sadd.s32 s8, s6;
	s8 =	simm.s32 $0x2  }
0xd: {  	s6 =	smax.u32 s9, $0x1;
	s7 =	sadd.s32 $0xC00, s31;
	s9 =	simm.s32 $0x80  }
.LBB2_1:
0xe: {  	s21 =	smov.u32 s7;
	s22 =	simm.s32 $0x0  }
.LBB2_2:
0xf: {  	s23 =	sshll.u32 s22, $0x5  }
0x10: {  	s23 =	sadd.s32 s5, s23  }
0x11: {  	s23 =	smul.u32 $0x19, s23;
	_ =	sdelay $0x1  }
0x12: {  	s24 =	simm.s32 $0x0;
	s23 =	sadd.s32 s1, s23  }
0x13: {  	[tilespmem:s24], [sflag:$0x2] =	stream.linear.gather [hbm4b:s23+s24], $0x1900, $0x38;
	[tilespmem:$0x1A900] =	vst v63  }
0x14: {  	_ =	swait.ge [sflag:s8], $0x1900  }
0x15: {  	[sflag:s8] =	ssyncset.done $0x0  }
0x16: {  	s31 =	simm.s32 $0x0;
	[sflag:s8] =	ssyncadd.s32 $0xFFFFE700  }
0x17: {  	[tilespmem:s10], [sflag:$0x1] =	stream.indirect.gather [hbm4b:s4+s9], $0x80, s31, s9, $0xb8;
	[tilespmem:$0x1A900] =	vst v63  }
0x18: {  	s24 =	simm.s32 $0x80  }
0x19: {  	[tilespmem:s12], [sflag:$0x1] =	stream.indirect.gather [hbm4b:s4+s11], $0x80, s24, s11, $0xb8;
	[tilespmem:$0x1A900] =	vst v63  }
0x1a: {  	s25 =	simm.s32 $0xC8  }
0x1b: {  	[tilespmem:s13], [sflag:$0x1] =	stream.indirect.gather [hbm4b:s4+s9], $0x80, s25, s9, $0xb8;
	[tilespmem:$0x1A900] =	vst v63  }
0x1c: {  	s26 =	simm.s32 $0x148  }
0x1d: {  	[tilespmem:s14], [sflag:$0x1] =	stream.indirect.gather [hbm4b:s4+s11], $0x80, s26, s11, $0xb8;
	[tilespmem:$0x1A900] =	vst v63  }
0x1e: {  	s28 =	simm.s32 $0x190  }
0x1f: {  	[tilespmem:s15], [sflag:$0x1] =	stream.indirect.gather [hbm4b:s4+s9], $0x80, s28, s9, $0xb8;
	[tilespmem:$0x1A900] =	vst v63  }
0x20: {  	s29 =	simm.s32 $0x210  }
0x21: {  	[tilespmem:s16], [sflag:$0x1] =	stream.indirect.gather [hbm4b:s4+s11], $0x80, s29, s11, $0xb8;
	[tilespmem:$0x1A900] =	vst v63  }
0x22: {  	s30 =	simm.s32 $0x258  }
0x23: {  	[tilespmem:s17], [sflag:$0x1] =	stream.indirect.gather [hbm4b:s4+s9], $0x80, s30, s9, $0xb8;
	[tilespmem:$0x1A900] =	vst v63  }
0x24: {  	s31 =	simm.s32 $0x2D8  }
0x25: {  	[tilespmem:s18], [sflag:$0x1] =	stream.indirect.gather [hbm4b:s4+s11], $0x80, s31, s11, $0xb8;
	[tilespmem:$0x1A900] =	vst v63  }
0x26: {  	_ =	swait.ge [sflag:s19], $0x4000  }
0x27: {  	[sflag:s19] =	ssyncset.done $0x0  }
0x28: {  	[sflag:s19] =	ssyncadd.s32 $0xFFFFC000  }
0x29: {  	_ =	swait.ge [sflag:s19], $0x2400  }
0x2a: {  	[sflag:s19] =	ssyncset.done $0x0  }
0x2b: {  	[sflag:s19] =	ssyncadd.s32 $0xFFFFDC00  }
0x2c: {  	_ =	swait.ge [sflag:s19], $0x4000  }
0x2d: {  	[sflag:s19] =	ssyncset.done $0x0  }
0x2e: {  	[sflag:s19] =	ssyncadd.s32 $0xFFFFC000  }
0x2f: {  	_ =	swait.ge [sflag:s19], $0x2400  }
0x30: {  	[sflag:s19] =	ssyncset.done $0x0  }
0x31: {  	[sflag:s19] =	ssyncadd.s32 $0xFFFFDC00  }
0x32: {  	_ =	swait.ge [sflag:s19], $0x4000  }
0x33: {  	[sflag:s19] =	ssyncset.done $0x0  }
0x34: {  	[sflag:s19] =	ssyncadd.s32 $0xFFFFC000  }
0x35: {  	_ =	swait.ge [sflag:s19], $0x2400  }
0x36: {  	[sflag:s19] =	ssyncset.done $0x0  }
0x37: {  	[sflag:s19] =	ssyncadd.s32 $0xFFFFDC00  }
0x38: {  	_ =	swait.ge [sflag:s19], $0x4000  }
0x39: {  	[sflag:s19] =	ssyncset.done $0x0  }
0x3a: {  	[sflag:s19] =	ssyncadd.s32 $0xFFFFC000  }
0x3b: {  	_ =	swait.ge [sflag:s19], $0x2400  }
0x3c: {  	[sflag:s19] =	ssyncset.done $0x0  }
0x3d: {  	[sflag:s19] =	ssyncadd.s32 $0xFFFFDC00  }
0x3e: {  	[hbm4b:s21+s3] =	stream.linear.scatter [tilespmem:s10], [sflag:$0x2], $0x19000, $0x38;
	[tilespmem:$0x1A900] =	vst v63  }
0x3f: {  	s23 =	sadd.s32 $0x3200, s21;
	_ =	swait.ge [sflag:s8], $0x19000  }
0x40: {  	s24 =	simm.s32 $0xC80;
	s26 =	simm.s32 $0x1900;
	[sflag:s8] =	ssyncset.done $0x0  }
.LBB2_3:
0x41: {  	s28 =	sshra.s32 s24, $0x2  }
0x42: {  	[sflag:s8] =	ssyncadd.s32 $0xFFFE7000;
	s24 =	smov.u32 s26;
	s25 =	sadd.s32 $0xC80, s26  }
0x43: {  	[tilespmem:s10], [sflag:$0x1] =	stream.indirect.gather [hbm4b:s4+s9], $0x80, s28, s9, $0xb8;
	[tilespmem:$0x1A900] =	vst v63  }
0x44: {  	p0 =	sne.s32 s26, $0x5780;
	s26 =	sadd.s32 $0x80, s28  }
0x45: {  	[tilespmem:s12], [sflag:$0x1] =	stream.indirect.gather [hbm4b:s4+s11], $0x80, s26, s11, $0xb8;
	[tilespmem:$0x1A900] =	vst v63  }
0x46: {  	s26 =	sadd.s32 $0xC8, s28  }
0x47: {  	[tilespmem:s13], [sflag:$0x1] =	stream.indirect.gather [hbm4b:s4+s9], $0x80, s26, s9, $0xb8;
	[tilespmem:$0x1A900] =	vst v63  }
0x48: {  	s26 =	sadd.s32 $0x148, s28  }
0x49: {  	[tilespmem:s14], [sflag:$0x1] =	stream.indirect.gather [hbm4b:s4+s11], $0x80, s26, s11, $0xb8;
	[tilespmem:$0x1A900] =	vst v63  }
0x4a: {  	s26 =	sadd.s32 $0x190, s28  }
0x4b: {  	[tilespmem:s15], [sflag:$0x1] =	stream.indirect.gather [hbm4b:s4+s9], $0x80, s26, s9, $0xb8;
	[tilespmem:$0x1A900] =	vst v63  }
0x4c: {  	s26 =	sadd.s32 $0x210, s28  }
0x4d: {  	[tilespmem:s16], [sflag:$0x1] =	stream.indirect.gather [hbm4b:s4+s11], $0x80, s26, s11, $0xb8;
	[tilespmem:$0x1A900] =	vst v63  }
0x4e: {  	s26 =	sadd.s32 $0x258, s28  }
0x4f: {  	[tilespmem:s17], [sflag:$0x1] =	stream.indirect.gather [hbm4b:s4+s9], $0x80, s26, s9, $0xb8;
	[tilespmem:$0x1A900] =	vst v63  }
0x50: {  	s26 =	sadd.s32 $0x2D8, s28  }
0x51: {  	[tilespmem:s18], [sflag:$0x1] =	stream.indirect.gather [hbm4b:s4+s11], $0x80, s26, s11, $0xb8;
	[tilespmem:$0x1A900] =	vst v63  }
0x52: {  	_ =	swait.ge [sflag:s19], $0x4000  }
0x53: {  	[sflag:s19] =	ssyncset.done $0x0  }
0x54: {  	[sflag:s19] =	ssyncadd.s32 $0xFFFFC000  }
0x55: {  	_ =	swait.ge [sflag:s19], $0x2400  }
0x56: {  	[sflag:s19] =	ssyncset.done $0x0  }
0x57: {  	[sflag:s19] =	ssyncadd.s32 $0xFFFFDC00  }
0x58: {  	_ =	swait.ge [sflag:s19], $0x4000  }
0x59: {  	[sflag:s19] =	ssyncset.done $0x0  }
0x5a: {  	[sflag:s19] =	ssyncadd.s32 $0xFFFFC000  }
0x5b: {  	_ =	swait.ge [sflag:s19], $0x2400  }
0x5c: {  	[sflag:s19] =	ssyncset.done $0x0  }
0x5d: {  	[sflag:s19] =	ssyncadd.s32 $0xFFFFDC00  }
0x5e: {  	_ =	swait.ge [sflag:s19], $0x4000  }
0x5f: {  	[sflag:s19] =	ssyncset.done $0x0  }
0x60: {  	[sflag:s19] =	ssyncadd.s32 $0xFFFFC000  }
0x61: {  	_ =	swait.ge [sflag:s19], $0x2400  }
0x62: {  	[sflag:s19] =	ssyncset.done $0x0  }
0x63: {  	[sflag:s19] =	ssyncadd.s32 $0xFFFFDC00  }
0x64: {  	_ =	swait.ge [sflag:s19], $0x4000  }
0x65: {  	[sflag:s19] =	ssyncset.done $0x0  }
0x66: {  	[sflag:s19] =	ssyncadd.s32 $0xFFFFC000  }
0x67: {  	_ =	swait.ge [sflag:s19], $0x2400  }
.Ltmp0:
0x68: {  	[sflag:s19] =	ssyncset.done $0x0;
	(pc) =	sbr.rel @p0 .LBB2_3-.Ltmp0, $4  }
0x69: {  	[sflag:s19] =	ssyncadd.s32 $0xFFFFDC00  }
0x6a: {  	[hbm4b:s23+s3] =	stream.linear.scatter [tilespmem:s10], [sflag:$0x2], $0x19000, $0x38;
	[tilespmem:$0x1A900] =	vst v63  }
0x6b: {  	_ =	swait.ge [sflag:s8], $0x19000  }
0x6c: {  	s26 =	smov.u32 s25;
	s23 =	sadd.s32 $0x3200, s23;
	[sflag:s8] =	ssyncset.done $0x0  }
0x6d: {  	s24 =	sshra.s32 s24, $0x2;
	[sflag:s8] =	ssyncadd.s32 $0xFFFE7000  }
0x6e: {  	[tilespmem:s10], [sflag:$0x1] =	stream.indirect.gather [hbm4b:s4+s9], $0x80, s24, s9, $0xb8;
	[tilespmem:$0x1A900] =	vst v63  }
0x6f: {  	s25 =	sadd.s32 $0x80, s24  }
0x70: {  	[tilespmem:s12], [sflag:$0x1] =	stream.indirect.gather [hbm4b:s4+s11], $0x80, s25, s11, $0xb8;
	[tilespmem:$0x1A900] =	vst v63  }
0x71: {  	s26 =	sadd.s32 $0xC8, s24  }
0x72: {  	[tilespmem:s13], [sflag:$0x1] =	stream.indirect.gather [hbm4b:s4+s9], $0x80, s26, s9, $0xb8;
	[tilespmem:$0x1A900] =	vst v63  }
0x73: {  	s28 =	sadd.s32 $0x148, s24  }
0x74: {  	[tilespmem:s14], [sflag:$0x1] =	stream.indirect.gather [hbm4b:s4+s11], $0x80, s28, s11, $0xb8;
	[tilespmem:$0x1A900] =	vst v63  }
0x75: {  	s29 =	sadd.s32 $0x190, s24  }
0x76: {  	[tilespmem:s15], [sflag:$0x1] =	stream.indirect.gather [hbm4b:s4+s9], $0x80, s29, s9, $0xb8;
	[tilespmem:$0x1A900] =	vst v63  }
0x77: {  	s30 =	sadd.s32 $0x210, s24  }
0x78: {  	[tilespmem:s16], [sflag:$0x1] =	stream.indirect.gather [hbm4b:s4+s11], $0x80, s30, s11, $0xb8;
	[tilespmem:$0x1A900] =	vst v63  }
0x79: {  	s31 =	sadd.s32 $0x258, s24  }
0x7a: {  	[tilespmem:s17], [sflag:$0x1] =	stream.indirect.gather [hbm4b:s4+s9], $0x80, s31, s9, $0xb8;
	[tilespmem:$0x1A900] =	vst v63  }
0x7b: {  	s24 =	sadd.s32 $0x2D8, s24  }
0x7c: {  	[tilespmem:s18], [sflag:$0x1] =	stream.indirect.gather [hbm4b:s4+s11], $0x80, s24, s11, $0xb8;
	[tilespmem:$0x1A900] =	vst v63  }
0x7d: {  	_ =	swait.ge [sflag:s19], $0x4000  }
0x7e: {  	[sflag:s19] =	ssyncset.done $0x0  }
0x7f: {  	[sflag:s19] =	ssyncadd.s32 $0xFFFFC000  }
0x80: {  	_ =	swait.ge [sflag:s19], $0x2400  }
0x81: {  	[sflag:s19] =	ssyncset.done $0x0  }
0x82: {  	[sflag:s19] =	ssyncadd.s32 $0xFFFFDC00  }
0x83: {  	_ =	swait.ge [sflag:s19], $0x4000  }
0x84: {  	[sflag:s19] =	ssyncset.done $0x0  }
0x85: {  	[sflag:s19] =	ssyncadd.s32 $0xFFFFC000  }
0x86: {  	_ =	swait.ge [sflag:s19], $0x2400  }
0x87: {  	[sflag:s19] =	ssyncset.done $0x0  }
0x88: {  	[sflag:s19] =	ssyncadd.s32 $0xFFFFDC00  }
0x89: {  	_ =	swait.ge [sflag:s19], $0x4000  }
0x8a: {  	[sflag:s19] =	ssyncset.done $0x0  }
0x8b: {  	[sflag:s19] =	ssyncadd.s32 $0xFFFFC000  }
0x8c: {  	_ =	swait.ge [sflag:s19], $0x2400  }
0x8d: {  	[sflag:s19] =	ssyncset.done $0x0  }
0x8e: {  	[sflag:s19] =	ssyncadd.s32 $0xFFFFDC00  }
0x8f: {  	_ =	swait.ge [sflag:s19], $0x4000  }
0x90: {  	[sflag:s19] =	ssyncset.done $0x0  }
0x91: {  	[sflag:s19] =	ssyncadd.s32 $0xFFFFC000  }
0x92: {  	s22 =	sadd.s32 $0x1, s22;
	_ =	swait.ge [sflag:s19], $0x2400  }
0x93: {  	p0 =	sne.s32 s22, $0x4;
	[sflag:s19] =	ssyncset.done $0x0  }
.Ltmp1:
0x94: {  	[sflag:s19] =	ssyncadd.s32 $0xFFFFDC00;
	(pc) =	sbr.rel @p0 .LBB2_2-.Ltmp1, $4  }
0x95: {  	[hbm4b:s23+s3] =	stream.linear.scatter [tilespmem:s10], [sflag:$0x2], $0x19000, $0x38;
	[tilespmem:$0x1A900] =	vst v63  }
0x96: {  	_ =	swait.ge [sflag:s8], $0x19000  }
0x97: {  	[sflag:s8] =	ssyncset.done $0x0  }
0x98: {  	s21 =	sadd.s32 $0x19000, s21;
	[sflag:s8] =	ssyncadd.s32 $0xFFFE7000  }
0x99: {  	s20 =	sadd.s32 $0x1, s20  }
0x9a: {  	p0 =	sne.s32 s20, s6  }
.Ltmp2:
0x9b: {  	_ = 	snop;
	(pc) =	sbr.rel @p0 .LBB2_1-.Ltmp2, $1  }
0x9c: {  	_ =	sdelay $0x3  }
0x9d: {  	_ =	sfence.sel $0x180000  }
0x9e: {  	[bflag:$0x0] =	sbarrier.arrive $0xFFFF  }
0x9f: {  	p0 =	sne.s32 s2, $0x0;
	_ =	strace $0x90000047  }
0xa0: {  	s0 =	sadd.s32 @!p0 $0x100000, s0;
	[bflag:$0x2] =	sbarrier.arrive $0xFFFF  }
0xa1: {  	[sflag:s0] =	ssyncadd.tile.s32 @!p0 $0x1;
	_ =	shalt  }
.Lfunc_end2:
_tile_overlayer_lowered:
.L_overlay_start_2:
0xa2: {  	(tag) =	ssettag $0x2  }
0xa3: {  	s0 =	rddreg [dreg:$0x0];
	s2 =	stileid.u32  }
0xa4: {  	s1 =	rddreg [dreg:$0x1];
	p0 =	sne.s32 s2, $0x0  }
0xa5: {  	s3 =	rddreg [dreg:$0x2];
	[bflag:$0x3] =	sbarrier.arrive $0xFFFF;
	s2 =	simm.s32 @!p0 $0x1C02  }
0xa6: {  	[timem:s3], [sflag:s2] =	dma.local @!p0 [hbm:s0], s1  }
0xa7: {  	s0 =	simm.s32 @!p0 $0x2  }
0xa8: {  	_ =	swait.ge @!p0 [sflag:s0], s1  }
0xa9: {  	s1 =	ssub.s32 @!p0 $0x0, s1;
	[sflag:s0] =	ssyncset.done @!p0 $0x0  }
0xaa: {  	[sflag:s0] =	ssyncadd.s32 @!p0 s1  }
0xab: {  	[bflag:$0x3] =	sbarrier.arrive $0xFFFF  }
0xac: {  	_ =	shalt  }

</sc_bundles>
